<compile_context>
chip_gen: v7x
topology: tpu7x:2x2x1
jax: 0.10.2.dev20260603
libtpu: 0.0.44.dev20260713+nightly
codegen_flags: <defaults>
</compile_context>

<pallas_src>
import math

import jax
import jax.numpy as jnp
from jax import lax
from jax.experimental import pallas as pl
from jax.experimental.pallas import tpu as pltpu
from jax.experimental.pallas import tpu_sc as plsc

B, S, D = 1, 2048, 768
RANK = 64
N_COMPRESS = 8
N_KNOWLEDGE = 100000
KNOWLEDGE_K = 8

TT = 256
TK = 2048
NKT = -(-N_KNOWLEDGE // TK)
MINF = -3.0e38
SCALE = 1.0 / math.sqrt(RANK)
_LANES = 16
WREP = KNOWLEDGE_K * _LANES


def _phase1_body(x_ref, wrt_ref, c2_ref, k_ref, idx_out, w_out,
                 q_scr, tops_scr, topi_scr, s_scr):
    kstep = pl.program_id(1)

    @pl.when(kstep == 0)
    def _init():
        X = x_ref[...]
        r = jnp.dot(X, wrt_ref[...],
                    preferred_element_type=jnp.float32)
        r = r - jnp.max(r, axis=1, keepdims=True)
        e = jnp.exp(r)
        w8 = e / jnp.sum(e, axis=1, keepdims=True)
        q = jnp.zeros((TT, RANK), jnp.float32)
        for n in range(N_COMPRESS):
            pn = jnp.dot(X, c2_ref[:, n * RANK:(n + 1) * RANK],
                         preferred_element_type=jnp.float32)
            q = q + pn * w8[:, n:n + 1]
        q_scr[...] = q
        tops_scr[...] = jnp.full((TT, KNOWLEDGE_K), MINF, jnp.float32)
        topi_scr[...] = jnp.zeros((TT, KNOWLEDGE_K), jnp.int32)

    base = kstep * TK
    scores = lax.dot_general(q_scr[...], k_ref[...],
                             (((1,), (1,)), ((), ())),
                             preferred_element_type=jnp.float32) * SCALE
    col = lax.broadcasted_iota(jnp.int32, (TT, TK), 1)
    valid = (col + base) < N_KNOWLEDGE
    scores = jnp.where(valid, scores, MINF)

    ts0 = tops_scr[...]
    ti0 = topi_scr[...]
    thresh = ts0[:, KNOWLEDGE_K - 1:KNOWLEDGE_K]
    cnt = jnp.sum((scores > thresh).astype(jnp.int32), axis=1)
    needed = jnp.max(jnp.minimum(cnt, KNOWLEDGE_K))
    s_scr[...] = scores

    js = lax.broadcasted_iota(jnp.int32, (TT, KNOWLEDGE_K), 1)

    def round_body(_, carry):
        ts, ti = carry
        s = s_scr[...]
        m = jnp.max(s, axis=1, keepdims=True)
        am = jnp.min(jnp.where(s == m, col, jnp.int32(1 << 30)),
                     axis=1, keepdims=True)
        s_scr[...] = jnp.where(col == am, MINF, s)
        gam = am + base
        pos = jnp.sum((ts >= m).astype(jnp.int32), axis=1, keepdims=True)
        sh_ts = jnp.concatenate([ts[:, :1], ts[:, :KNOWLEDGE_K - 1]], axis=1)
        sh_ti = jnp.concatenate([ti[:, :1], ti[:, :KNOWLEDGE_K - 1]], axis=1)
        nts = jnp.where(js < pos, ts, jnp.where(js == pos, m, sh_ts))
        nti = jnp.where(js < pos, ti, jnp.where(js == pos, gam, sh_ti))
        return nts, nti

    ts_f, ti_f = lax.fori_loop(0, needed, round_body, (ts0, ti0))
    tops_scr[...] = ts_f
    topi_scr[...] = ti_f

    @pl.when(kstep == NKT - 1)
    def _emit():
        ts = tops_scr[...]
        e = jnp.exp(ts - ts[:, :1])
        w = e / jnp.sum(e, axis=1, keepdims=True)
        w_out[...] = jnp.repeat(w, _LANES, axis=1)
        idx_out[...] = topi_scr[...]


def _phase1(x2d, wrt, c2, knowledge_K):
    ntok = x2d.shape[0]
    return pl.pallas_call(
        _phase1_body,
        grid=(ntok // TT, NKT),
        in_specs=[
            pl.BlockSpec((TT, D), lambda t, k: (t, 0)),
            pl.BlockSpec((D, N_COMPRESS), lambda t, k: (0, 0)),
            pl.BlockSpec((D, N_COMPRESS * RANK), lambda t, k: (0, 0)),
            pl.BlockSpec((TK, RANK), lambda t, k: (k, 0)),
        ],
        out_specs=[
            pl.BlockSpec((TT, KNOWLEDGE_K), lambda t, k: (t, 0)),
            pl.BlockSpec((TT, WREP), lambda t, k: (t, 0)),
        ],
        out_shape=[
            jax.ShapeDtypeStruct((ntok, KNOWLEDGE_K), jnp.int32),
            jax.ShapeDtypeStruct((ntok, WREP), jnp.float32),
        ],
        scratch_shapes=[
            pltpu.VMEM((TT, RANK), jnp.float32),
            pltpu.VMEM((TT, KNOWLEDGE_K), jnp.float32),
            pltpu.VMEM((TT, KNOWLEDGE_K), jnp.int32),
            pltpu.VMEM((TT, TK), jnp.float32),
        ],
    )(x2d, wrt, c2, knowledge_K)



_NC = 2
_NS = 16
_NW = _NC * _NS
_TCH = 16
_DCH = D // _LANES


def _make_sc_body(ntok):
    tpw = ntok // _NW
    nchunk = tpw // _TCH

    def _sc_body(v_hbm, idx_hbm, w_hbm, out_hbm, idx_v, rows_v, w_v, out_v,
                 sem):
        wid = lax.axis_index("s") * _NC + lax.axis_index("c")

        def chunk(ch, _):
            tok0 = wid * tpw + ch * _TCH
            row0 = tok0 * KNOWLEDGE_K
            pltpu.sync_copy(idx_hbm.at[pl.ds(row0, _TCH * KNOWLEDGE_K)], idx_v)
            pltpu.async_copy(v_hbm.at[idx_v], rows_v, sem).wait()
            pltpu.sync_copy(w_hbm.at[pl.ds(tok0, _TCH)], w_v)

            def tok(tt, _):
                def lane_chunk(cc, _):
                    acc = rows_v[tt * KNOWLEDGE_K, pl.ds(cc * _LANES, _LANES)] \
                        * w_v[tt, 0, :]
                    for j in range(1, KNOWLEDGE_K):
                        acc = acc + rows_v[tt * KNOWLEDGE_K + j,
                                           pl.ds(cc * _LANES, _LANES)] \
                            * w_v[tt, j, :]
                    out_v[tt, pl.ds(cc * _LANES, _LANES)] = acc
                    return 0

                lax.fori_loop(0, _DCH, lane_chunk, 0)
                return 0

            lax.fori_loop(0, _TCH, tok, 0)
            pltpu.sync_copy(out_v, out_hbm.at[pl.ds(tok0, _TCH)])
            return 0

        lax.fori_loop(0, nchunk, chunk, 0)

    return _sc_body


def _phase2(knowledge_V, idx_flat, w_rep):
    ntok = w_rep.shape[0]
    mesh = plsc.VectorSubcoreMesh(core_axis_name="c", subcore_axis_name="s")
    f = pl.kernel(
        _make_sc_body(ntok), mesh=mesh,
        out_type=jax.ShapeDtypeStruct((ntok, D), jnp.float32),
        scratch_types=[
            pltpu.VMEM((_TCH * KNOWLEDGE_K,), jnp.int32),
            pltpu.VMEM((_TCH * KNOWLEDGE_K, D), jnp.float32),
            pltpu.VMEM((_TCH, KNOWLEDGE_K, _LANES), jnp.float32),
            pltpu.VMEM((_TCH, D), jnp.float32),
            pltpu.SemaphoreType.DMA,
        ],
    )
    return f(knowledge_V, idx_flat, w_rep)


def kernel(x, W_router, compress_neurons, knowledge_K, knowledge_V):
    x2d = x.reshape(S, D)
    wrt = W_router.T
    c2 = jnp.transpose(compress_neurons, (1, 0, 2)).reshape(D, N_COMPRESS * RANK)

    halves = []
    h = S // 2
    for i in range(2):
        xh = x2d[i * h:(i + 1) * h]
        topk_idx, w128 = _phase1(xh, wrt, c2, knowledge_K)
        idx_flat = topk_idx.reshape(h * KNOWLEDGE_K)
        w_rep = w128.reshape(h, KNOWLEDGE_K, _LANES)
        halves.append(_phase2(knowledge_V, idx_flat, w_rep))
    out = jnp.concatenate(halves, axis=0)
    return out.reshape(B, S, D)

# --- scband reference (transcript-rebuilt; emitter-appended) ---
"""Pipeline reference for scband-neuron-memory-28930899706062 (READ-ONLY COPY).

The authoritative reference and input builder live on the scoring server;
editing this copy changes nothing except your own understanding.
"""

import jax, jax.numpy as jnp
import numpy as np
import math

B, S, D = 1, 2048, 768
RANK = 64
N_COMPRESS = 8
N_KNOWLEDGE = 100000
KNOWLEDGE_K = 8

def setup_inputs(seed: int = 0) -> dict:
    key = jax.random.key(seed)
    ks = jax.random.split(key, 5)
    x = jax.random.normal(ks[0], (B, S, D), dtype=jnp.float32)
    # router: nn.Linear(d_model, n_compress, bias=False) -> weight [n_compress, d_model]
    W_router = jax.random.normal(ks[1], (N_COMPRESS, D), dtype=jnp.float32) * (1.0 / math.sqrt(D))
    # compress_neurons [n_compress, d_model, rank] (orthogonal-init stand-in)
    compress_neurons = jax.random.normal(ks[2], (N_COMPRESS, D, RANK), dtype=jnp.float32) * (1.0 / math.sqrt(D))
    knowledge_K = jax.random.normal(ks[3], (N_KNOWLEDGE, RANK), dtype=jnp.float32) * 0.02
    knowledge_V = jax.random.normal(ks[4], (N_KNOWLEDGE, D), dtype=jnp.float32) * 0.02
    return {"x": x, "W_router": W_router, "compress_neurons": compress_neurons,
            "knowledge_K": knowledge_K, "knowledge_V": knowledge_V}

def reference(x, W_router, compress_neurons, knowledge_K, knowledge_V):
    knowledge_rank = knowledge_K.shape[1]
    # Compressor with soft routing
    scores = x @ W_router.T                                   # [B,S,n_compress]
    weights = jax.nn.softmax(scores, axis=-1)
    all_proj = jnp.einsum('bsd,ndr->bsnr', x, compress_neurons)  # [B,S,n_compress,rank]
    Q = (all_proj * weights[..., None]).sum(axis=2)           # [B,S,rank]
    # Knowledge retrieval (knowledge_rank == rank -> no query_proj)
    kscores = (Q @ knowledge_K.T) / math.sqrt(knowledge_rank) # [B,S,n_knowledge]
    topk_scores, topk_idx = jax.lax.top_k(kscores, KNOWLEDGE_K)  # [B,S,k]
    w = jax.nn.softmax(topk_scores, axis=-1)
    selected_V = knowledge_V[topk_idx]                        # gather -> [B,S,k,D]
    output = (selected_V * w[..., None]).sum(axis=2)          # [B,S,D]
    return output

if __name__ == "__main__":
    import jax
    _d = setup_inputs()
    print(jax.jit(kernel)(*tuple(_d.values())))

</pallas_src>

<mosaic_0001>
#map = affine_map<(d0, d1) -> (0, 0)>
#map1 = affine_map<(d0, d1) -> (0)>
#map2 = affine_map<(d0, d1) -> (0, 0, 0)>
module attributes {stable_mosaic.version = 14 : i64} {
  func.func @_sc_body(%arg0: i32, %arg1: i32, %arg2: memref<100000x768xf32, #tpu.memory_space<hbm>>, %arg3: memref<8192xi32, #tpu.memory_space<hbm>>, %arg4: memref<1024x8x16xf32, #tpu.memory_space<hbm>>, %arg5: memref<1024x768xf32, #tpu.memory_space<hbm>>, %arg6: memref<128xi32, #tpu.memory_space<vmem>>, %arg7: memref<128x768xf32, #tpu.memory_space<vmem>>, %arg8: memref<16x8x16xf32, #tpu.memory_space<vmem>>, %arg9: memref<16x768xf32, #tpu.memory_space<vmem>>, %arg10: memref<!tpu.dma_semaphore, #tpu.memory_space<semaphore_mem>>) attributes {dimension_semantics = [#tpu.dimension_semantics<core_parallel>, #tpu.dimension_semantics<subcore_parallel>], iteration_bounds = array<i64: 2, 16>, scalar_prefetch = 0 : i64, scratch_operands = 5 : i64, tpu.core_type = #tpu.core_type<sc_vector_subcore>, window_params = [{transform_indices = #map}, {transform_indices = #map1}, {transform_indices = #map2}, {transform_indices = #map}]} {
    %mul3A = arith.constant 2 : i32
    %mul3A_0 = arith.muli %arg1, %mul3A : i32
    %add3A = arith.addi %mul3A_0, %arg0 : i32
    %scan3A = arith.constant 0 : i32
    %scan3A_1 = arith.constant 0 : i32
    %scan3A_2 = arith.constant 2 : i32
    %scan3A_3 = arith.addi %scan3A_1, %scan3A_2 : i32
    %scan3A_4 = arith.constant 1 : i32
    %scan3A_5 = scf.for %scan3A_7 = %scan3A_1 to %scan3A_3 step %scan3A_4 iter_args(%scan3A_8 = %scan3A) -> (i32)  : i32 {
      %mul3A_9 = arith.constant 32 : i32
      %mul3A_10 = arith.muli %add3A, %mul3A_9 : i32
      %mul3A_11 = arith.constant 16 : i32
      %mul3A_12 = arith.muli %scan3A_7, %mul3A_11 : i32
      %add3A_13 = arith.addi %mul3A_10, %mul3A_12 : i32
      %mul3A_14 = arith.constant 8 : i32
      %mul3A_15 = arith.muli %add3A_13, %mul3A_14 : i32
      "tpu.region"() ({
        %run_scoped3A = tpu.sem_alloc : memref<!tpu.dma_semaphore, #tpu.memory_space<semaphore_mem>>
        %dma_start3A_28 = tpu.memref_slice %arg3[%mul3A_15] : memref<8192xi32, #tpu.memory_space<hbm>> -> memref<128xi32, #tpu.memory_space<hbm>>
        %dma_start3A_29 = tpu.memref_slice %arg3[%mul3A_15] : memref<8192xi32, #tpu.memory_space<hbm>> -> memref<128xi32, #tpu.memory_space<hbm>>
        tpu.enqueue_dma source(%dma_start3A_29 : memref<128xi32, #tpu.memory_space<hbm>>) target(%arg6 : memref<128xi32, #tpu.memory_space<vmem>>) target_semaphore(%run_scoped3A : memref<!tpu.dma_semaphore, #tpu.memory_space<semaphore_mem>>)
        %dma_wait3A_30 = tpu.memref_slice %arg3[%mul3A_15] : memref<8192xi32, #tpu.memory_space<hbm>> -> memref<128xi32, #tpu.memory_space<hbm>>
        %dma_wait3A_31 = tpu.memref_slice %arg3[%mul3A_15] : memref<8192xi32, #tpu.memory_space<hbm>> -> memref<128xi32, #tpu.memory_space<hbm>>
        tpu.wait_dma2 semaphore(%run_scoped3A : memref<!tpu.dma_semaphore, #tpu.memory_space<semaphore_mem>>) src(%dma_wait3A_31 : memref<128xi32, #tpu.memory_space<hbm>>) dst(%arg6 : memref<128xi32, #tpu.memory_space<vmem>>)
        tpu.yield
      }) : () -> ()
      %dma_start3A = arith.constant 0 : i32
      %dma_start3A_16 = arith.constant 0 : i32
      %dma_start3A_17 = tpu.memref_slice %arg2[%dma_start3A, %dma_start3A_16] : memref<100000x768xf32, #tpu.memory_space<hbm>> -> memref<100000x768xf32, #tpu.memory_space<hbm>>
      tpu.enqueue_indirect_dma source(%dma_start3A_17 : memref<100000x768xf32, #tpu.memory_space<hbm>>) target(%arg7 : memref<128x768xf32, #tpu.memory_space<vmem>>) offsets(%arg6 : memref<128xi32, #tpu.memory_space<vmem>>) semaphore(%arg10 : memref<!tpu.dma_semaphore, #tpu.memory_space<semaphore_mem>>)
      %dma_wait3A = arith.constant 0 : i32
      %dma_wait3A_18 = arith.constant 0 : i32
      %dma_wait3A_19 = tpu.memref_slice %arg2[%dma_wait3A, %dma_wait3A_18] : memref<100000x768xf32, #tpu.memory_space<hbm>> -> memref<100000x768xf32, #tpu.memory_space<hbm>>
      tpu.wait_indirect_dma semaphore(%arg10 : memref<!tpu.dma_semaphore, #tpu.memory_space<semaphore_mem>>) src(%dma_wait3A_19 : memref<100000x768xf32, #tpu.memory_space<hbm>>) dst(%arg7 : memref<128x768xf32, #tpu.memory_space<vmem>>)
      "tpu.region"() ({
        %run_scoped3A = tpu.sem_alloc : memref<!tpu.dma_semaphore, #tpu.memory_space<semaphore_mem>>
        %dma_start3A_28 = arith.constant 0 : i32
        %dma_start3A_29 = arith.constant 0 : i32
        %dma_start3A_30 = tpu.memref_slice %arg4[%add3A_13, %dma_start3A_28, %dma_start3A_29] : memref<1024x8x16xf32, #tpu.memory_space<hbm>> -> memref<16x8x16xf32, #tpu.memory_space<hbm>>
        %dma_start3A_31 = arith.constant 0 : i32
        %dma_start3A_32 = arith.constant 0 : i32
        %dma_start3A_33 = tpu.memref_slice %arg4[%add3A_13, %dma_start3A_31, %dma_start3A_32] : memref<1024x8x16xf32, #tpu.memory_space<hbm>> -> memref<16x8x16xf32, #tpu.memory_space<hbm>>
        tpu.enqueue_dma source(%dma_start3A_33 : memref<16x8x16xf32, #tpu.memory_space<hbm>>) target(%arg8 : memref<16x8x16xf32, #tpu.memory_space<vmem>>) target_semaphore(%run_scoped3A : memref<!tpu.dma_semaphore, #tpu.memory_space<semaphore_mem>>)
        %dma_wait3A_34 = arith.constant 0 : i32
        %dma_wait3A_35 = arith.constant 0 : i32
        %dma_wait3A_36 = tpu.memref_slice %arg4[%add3A_13, %dma_wait3A_34, %dma_wait3A_35] : memref<1024x8x16xf32, #tpu.memory_space<hbm>> -> memref<16x8x16xf32, #tpu.memory_space<hbm>>
        %dma_wait3A_37 = arith.constant 0 : i32
        %dma_wait3A_38 = arith.constant 0 : i32
        %dma_wait3A_39 = tpu.memref_slice %arg4[%add3A_13, %dma_wait3A_37, %dma_wait3A_38] : memref<1024x8x16xf32, #tpu.memory_space<hbm>> -> memref<16x8x16xf32, #tpu.memory_space<hbm>>
        tpu.wait_dma2 semaphore(%run_scoped3A : memref<!tpu.dma_semaphore, #tpu.memory_space<semaphore_mem>>) src(%dma_wait3A_39 : memref<16x8x16xf32, #tpu.memory_space<hbm>>) dst(%arg8 : memref<16x8x16xf32, #tpu.memory_space<vmem>>)
        tpu.yield
      }) : () -> ()
      %scan3A_20 = arith.constant 0 : i32
      %scan3A_21 = arith.constant 0 : i32
      %scan3A_22 = arith.constant 16 : i32
      %scan3A_23 = arith.addi %scan3A_21, %scan3A_22 : i32
      %scan3A_24 = arith.constant 1 : i32
      %scan3A_25 = scf.for %scan3A_28 = %scan3A_21 to %scan3A_23 step %scan3A_24 iter_args(%scan3A_29 = %scan3A_20) -> (i32)  : i32 {
        %scan3A_30 = arith.constant 0 : i32
        %scan3A_31 = arith.constant 0 : i32
        %scan3A_32 = arith.constant 48 : i32
        %scan3A_33 = arith.addi %scan3A_31, %scan3A_32 : i32
        %scan3A_34 = arith.constant 1 : i32
        %scan3A_35 = scf.for %scan3A_38 = %scan3A_31 to %scan3A_33 step %scan3A_34 iter_args(%scan3A_39 = %scan3A_30) -> (i32)  : i32 {
          %mul3A_40 = arith.constant 8 : i32
          %mul3A_41 = arith.muli %scan3A_28, %mul3A_40 : i32
          %mul3A_42 = arith.constant 16 : i32
          %mul3A_43 = arith.muli %scan3A_38, %mul3A_42 : i32
          %get3A = arith.index_cast %mul3A_41 : i32 to index
          %get3A_44 = arith.index_cast %mul3A_43 : i32 to index
          %get3A_45 = tpu.vector_load %arg7[%get3A, %get3A_44] {strides = array<i32>} : memref<128x768xf32, #tpu.memory_space<vmem>>, vector<1x16xf32>,
          %get3A_46 = vector.shape_cast %get3A_45 : vector<1x16xf32> to vector<16xf32>
          %get3A_47 = arith.constant 0 : i32
          %get3A_48 = arith.index_cast %scan3A_28 : i32 to index
          %get3A_49 = arith.index_cast %get3A_47 : i32 to index
          %get3A_50 = arith.constant 0 : index
          %get3A_51 = tpu.vector_load %arg8[%get3A_48, %get3A_49, %get3A_50] {strides = array<i32>} : memref<16x8x16xf32, #tpu.memory_space<vmem>>, vector<1x1x16xf32>,
          %get3A_52 = vector.shape_cast %get3A_51 : vector<1x1x16xf32> to vector<16xf32>
          %mul3A_53 = arith.mulf %get3A_46, %get3A_52 : vector<16xf32>
          %mul3A_54 = arith.constant 8 : i32
          %mul3A_55 = arith.muli %scan3A_28, %mul3A_54 : i32
          %add3A_56 = arith.constant 1 : i32
          %add3A_57 = arith.addi %mul3A_55, %add3A_56 : i32
          %mul3A_58 = arith.constant 16 : i32
          %mul3A_59 = arith.muli %scan3A_38, %mul3A_58 : i32
          %get3A_60 = arith.index_cast %add3A_57 : i32 to index
          %get3A_61 = arith.index_cast %mul3A_59 : i32 to index
          %get3A_62 = tpu.vector_load %arg7[%get3A_60, %get3A_61] {strides = array<i32>} : memref<128x768xf32, #tpu.memory_space<vmem>>, vector<1x16xf32>,
          %get3A_63 = vector.shape_cast %get3A_62 : vector<1x16xf32> to vector<16xf32>
          %get3A_64 = arith.constant 1 : i32
          %get3A_65 = arith.index_cast %scan3A_28 : i32 to index
          %get3A_66 = arith.index_cast %get3A_64 : i32 to index
          %get3A_67 = arith.constant 0 : index
          %get3A_68 = tpu.vector_load %arg8[%get3A_65, %get3A_66, %get3A_67] {strides = array<i32>} : memref<16x8x16xf32, #tpu.memory_space<vmem>>, vector<1x1x16xf32>,
          %get3A_69 = vector.shape_cast %get3A_68 : vector<1x1x16xf32> to vector<16xf32>
          %mul3A_70 = arith.mulf %get3A_63, %get3A_69 : vector<16xf32>
          %add3A_71 = arith.addf %mul3A_53, %mul3A_70 : vector<16xf32>
          %mul3A_72 = arith.constant 8 : i32
          %mul3A_73 = arith.muli %scan3A_28, %mul3A_72 : i32
          %add3A_74 = arith.constant 2 : i32
          %add3A_75 = arith.addi %mul3A_73, %add3A_74 : i32
          %mul3A_76 = arith.constant 16 : i32
          %mul3A_77 = arith.muli %scan3A_38, %mul3A_76 : i32
          %get3A_78 = arith.index_cast %add3A_75 : i32 to index
          %get3A_79 = arith.index_cast %mul3A_77 : i32 to index
          %get3A_80 = tpu.vector_load %arg7[%get3A_78, %get3A_79] {strides = array<i32>} : memref<128x768xf32, #tpu.memory_space<vmem>>, vector<1x16xf32>,
          %get3A_81 = vector.shape_cast %get3A_80 : vector<1x16xf32> to vector<16xf32>
          %get3A_82 = arith.constant 2 : i32
          %get3A_83 = arith.index_cast %scan3A_28 : i32 to index
          %get3A_84 = arith.index_cast %get3A_82 : i32 to index
          %get3A_85 = arith.constant 0 : index
          %get3A_86 = tpu.vector_load %arg8[%get3A_83, %get3A_84, %get3A_85] {strides = array<i32>} : memref<16x8x16xf32, #tpu.memory_space<vmem>>, vector<1x1x16xf32>,
          %get3A_87 = vector.shape_cast %get3A_86 : vector<1x1x16xf32> to vector<16xf32>
          %mul3A_88 = arith.mulf %get3A_81, %get3A_87 : vector<16xf32>
          %add3A_89 = arith.addf %add3A_71, %mul3A_88 : vector<16xf32>
          %mul3A_90 = arith.constant 8 : i32
          %mul3A_91 = arith.muli %scan3A_28, %mul3A_90 : i32
          %add3A_92 = arith.constant 3 : i32
          %add3A_93 = arith.addi %mul3A_91, %add3A_92 : i32
          %mul3A_94 = arith.constant 16 : i32
          %mul3A_95 = arith.muli %scan3A_38, %mul3A_94 : i32
          %get3A_96 = arith.index_cast %add3A_93 : i32 to index
          %get3A_97 = arith.index_cast %mul3A_95 : i32 to index
          %get3A_98 = tpu.vector_load %arg7[%get3A_96, %get3A_97] {strides = array<i32>} : memref<128x768xf32, #tpu.memory_space<vmem>>, vector<1x16xf32>,
          %get3A_99 = vector.shape_cast %get3A_98 : vector<1x16xf32> to vector<16xf32>
          %get3A_100 = arith.constant 3 : i32
          %get3A_101 = arith.index_cast %scan3A_28 : i32 to index
          %get3A_102 = arith.index_cast %get3A_100 : i32 to index
          %get3A_103 = arith.constant 0 : index
          %get3A_104 = tpu.vector_load %arg8[%get3A_101, %get3A_102, %get3A_103] {strides = array<i32>} : memref<16x8x16xf32, #tpu.memory_space<vmem>>, vector<1x1x16xf32>,
          %get3A_105 = vector.shape_cast %get3A_104 : vector<1x1x16xf32> to vector<16xf32>
          %mul3A_106 = arith.mulf %get3A_99, %get3A_105 : vector<16xf32>
          %add3A_107 = arith.addf %add3A_89, %mul3A_106 : vector<16xf32>
          %mul3A_108 = arith.constant 8 : i32
          %mul3A_109 = arith.muli %scan3A_28, %mul3A_108 : i32
          %add3A_110 = arith.constant 4 : i32
          %add3A_111 = arith.addi %mul3A_109, %add3A_110 : i32
          %mul3A_112 = arith.constant 16 : i32
          %mul3A_113 = arith.muli %scan3A_38, %mul3A_112 : i32
          %get3A_114 = arith.index_cast %add3A_111 : i32 to index
          %get3A_115 = arith.index_cast %mul3A_113 : i32 to index
          %get3A_116 = tpu.vector_load %arg7[%get3A_114, %get3A_115] {strides = array<i32>} : memref<128x768xf32, #tpu.memory_space<vmem>>, vector<1x16xf32>,
          %get3A_117 = vector.shape_cast %get3A_116 : vector<1x16xf32> to vector<16xf32>
          %get3A_118 = arith.constant 4 : i32
          %get3A_119 = arith.index_cast %scan3A_28 : i32 to index
          %get3A_120 = arith.index_cast %get3A_118 : i32 to index
          %get3A_121 = arith.constant 0 : index
          %get3A_122 = tpu.vector_load %arg8[%get3A_119, %get3A_120, %get3A_121] {strides = array<i32>} : memref<16x8x16xf32, #tpu.memory_space<vmem>>, vector<1x1x16xf32>,
          %get3A_123 = vector.shape_cast %get3A_122 : vector<1x1x16xf32> to vector<16xf32>
          %mul3A_124 = arith.mulf %get3A_117, %get3A_123 : vector<16xf32>
          %add3A_125 = arith.addf %add3A_107, %mul3A_124 : vector<16xf32>
          %mul3A_126 = arith.constant 8 : i32
          %mul3A_127 = arith.muli %scan3A_28, %mul3A_126 : i32
          %add3A_128 = arith.constant 5 : i32
          %add3A_129 = arith.addi %mul3A_127, %add3A_128 : i32
          %mul3A_130 = arith.constant 16 : i32
          %mul3A_131 = arith.muli %scan3A_38, %mul3A_130 : i32
          %get3A_132 = arith.index_cast %add3A_129 : i32 to index
          %get3A_133 = arith.index_cast %mul3A_131 : i32 to index
          %get3A_134 = tpu.vector_load %arg7[%get3A_132, %get3A_133] {strides = array<i32>} : memref<128x768xf32, #tpu.memory_space<vmem>>, vector<1x16xf32>,
          %get3A_135 = vector.shape_cast %get3A_134 : vector<1x16xf32> to vector<16xf32>
          %get3A_136 = arith.constant 5 : i32
          %get3A_137 = arith.index_cast %scan3A_28 : i32 to index
          %get3A_138 = arith.index_cast %get3A_136 : i32 to index
          %get3A_139 = arith.constant 0 : index
          %get3A_140 = tpu.vector_load %arg8[%get3A_137, %get3A_138, %get3A_139] {strides = array<i32>} : memref<16x8x16xf32, #tpu.memory_space<vmem>>, vector<1x1x16xf32>,
          %get3A_141 = vector.shape_cast %get3A_140 : vector<1x1x16xf32> to vector<16xf32>
          %mul3A_142 = arith.mulf %get3A_135, %get3A_141 : vector<16xf32>
          %add3A_143 = arith.addf %add3A_125, %mul3A_142 : vector<16xf32>
          %mul3A_144 = arith.constant 8 : i32
          %mul3A_145 = arith.muli %scan3A_28, %mul3A_144 : i32
          %add3A_146 = arith.constant 6 : i32
          %add3A_147 = arith.addi %mul3A_145, %add3A_146 : i32
          %mul3A_148 = arith.constant 16 : i32
          %mul3A_149 = arith.muli %scan3A_38, %mul3A_148 : i32
          %get3A_150 = arith.index_cast %add3A_147 : i32 to index
          %get3A_151 = arith.index_cast %mul3A_149 : i32 to index
          %get3A_152 = tpu.vector_load %arg7[%get3A_150, %get3A_151] {strides = array<i32>} : memref<128x768xf32, #tpu.memory_space<vmem>>, vector<1x16xf32>,
          %get3A_153 = vector.shape_cast %get3A_152 : vector<1x16xf32> to vector<16xf32>
          %get3A_154 = arith.constant 6 : i32
          %get3A_155 = arith.index_cast %scan3A_28 : i32 to index
          %get3A_156 = arith.index_cast %get3A_154 : i32 to index
          %get3A_157 = arith.constant 0 : index
          %get3A_158 = tpu.vector_load %arg8[%get3A_155, %get3A_156, %get3A_157] {strides = array<i32>} : memref<16x8x16xf32, #tpu.memory_space<vmem>>, vector<1x1x16xf32>,
          %get3A_159 = vector.shape_cast %get3A_158 : vector<1x1x16xf32> to vector<16xf32>
          %mul3A_160 = arith.mulf %get3A_153, %get3A_159 : vector<16xf32>
          %add3A_161 = arith.addf %add3A_143, %mul3A_160 : vector<16xf32>
          %mul3A_162 = arith.constant 8 : i32
          %mul3A_163 = arith.muli %scan3A_28, %mul3A_162 : i32
          %add3A_164 = arith.constant 7 : i32
          %add3A_165 = arith.addi %mul3A_163, %add3A_164 : i32
          %mul3A_166 = arith.constant 16 : i32
          %mul3A_167 = arith.muli %scan3A_38, %mul3A_166 : i32
          %get3A_168 = arith.index_cast %add3A_165 : i32 to index
          %get3A_169 = arith.index_cast %mul3A_167 : i32 to index
          %get3A_170 = tpu.vector_load %arg7[%get3A_168, %get3A_169] {strides = array<i32>} : memref<128x768xf32, #tpu.memory_space<vmem>>, vector<1x16xf32>,
          %get3A_171 = vector.shape_cast %get3A_170 : vector<1x16xf32> to vector<16xf32>
          %get3A_172 = arith.constant 7 : i32
          %get3A_173 = arith.index_cast %scan3A_28 : i32 to index
          %get3A_174 = arith.index_cast %get3A_172 : i32 to index
          %get3A_175 = arith.constant 0 : index
          %get3A_176 = tpu.vector_load %arg8[%get3A_173, %get3A_174, %get3A_175] {strides = array<i32>} : memref<16x8x16xf32, #tpu.memory_space<vmem>>, vector<1x1x16xf32>,
          %get3A_177 = vector.shape_cast %get3A_176 : vector<1x1x16xf32> to vector<16xf32>
          %mul3A_178 = arith.mulf %get3A_171, %get3A_177 : vector<16xf32>
          %add3A_179 = arith.addf %add3A_161, %mul3A_178 : vector<16xf32>
          %mul3A_180 = arith.constant 16 : i32
          %mul3A_181 = arith.muli %scan3A_38, %mul3A_180 : i32
          %swap3A = arith.index_cast %scan3A_28 : i32 to index
          %swap3A_182 = arith.index_cast %mul3A_181 : i32 to index
          %swap3A_183 = tpu.vector_load %arg9[%swap3A, %swap3A_182] {strides = array<i32>} : memref<16x768xf32, #tpu.memory_space<vmem>>, vector<1x16xf32>,
          %swap3A_184 = vector.shape_cast %swap3A_183 : vector<1x16xf32> to vector<16xf32>
          %swap3A_185 = vector.shape_cast %add3A_179 : vector<16xf32> to vector<1x16xf32>
          tpu.vector_store %arg9[%swap3A, %swap3A_182], %swap3A_185 {strides = array<i32>} : memref<16x768xf32, #tpu.memory_space<vmem>>, vector<1x16xf32>,
          %scan3A_186 = arith.constant 0 : i32
          scf.yield %scan3A_186 : i32
        }
        %scan3A_36 = arith.constant 48 : i32
        %scan3A_37 = arith.constant 0 : i32
        scf.yield %scan3A_37 : i32
      }
      %scan3A_26 = arith.constant 16 : i32
      "tpu.region"() ({
        %run_scoped3A = tpu.sem_alloc : memref<!tpu.dma_semaphore, #tpu.memory_space<semaphore_mem>>
        %dma_start3A_28 = arith.constant 0 : i32
        %dma_start3A_29 = tpu.memref_slice %arg5[%add3A_13, %dma_start3A_28] : memref<1024x768xf32, #tpu.memory_space<hbm>> -> memref<16x768xf32, #tpu.memory_space<hbm>>
        %dma_start3A_30 = arith.constant 0 : i32
        %dma_start3A_31 = tpu.memref_slice %arg5[%add3A_13, %dma_start3A_30] : memref<1024x768xf32, #tpu.memory_space<hbm>> -> memref<16x768xf32, #tpu.memory_space<hbm>>
        tpu.enqueue_dma source(%arg9 : memref<16x768xf32, #tpu.memory_space<vmem>>) target(%dma_start3A_31 : memref<16x768xf32, #tpu.memory_space<hbm>>) target_semaphore(%run_scoped3A : memref<!tpu.dma_semaphore, #tpu.memory_space<semaphore_mem>>)
        %dma_wait3A_32 = arith.constant 0 : i32
        %dma_wait3A_33 = tpu.memref_slice %arg5[%add3A_13, %dma_wait3A_32] : memref<1024x768xf32, #tpu.memory_space<hbm>> -> memref<16x768xf32, #tpu.memory_space<hbm>>
        %dma_wait3A_34 = arith.constant 0 : i32
        %dma_wait3A_35 = tpu.memref_slice %arg5[%add3A_13, %dma_wait3A_34] : memref<1024x768xf32, #tpu.memory_space<hbm>> -> memref<16x768xf32, #tpu.memory_space<hbm>>
        tpu.wait_dma2 semaphore(%run_scoped3A : memref<!tpu.dma_semaphore, #tpu.memory_space<semaphore_mem>>) src(%arg9 : memref<16x768xf32, #tpu.memory_space<vmem>>) dst(%dma_wait3A_35 : memref<16x768xf32, #tpu.memory_space<hbm>>)
        tpu.yield
      }) : () -> ()
      %scan3A_27 = arith.constant 0 : i32
      scf.yield %scan3A_27 : i32
    }
    %scan3A_6 = arith.constant 2 : i32
    return
  }
}

#map = affine_map<(d0, d1) -> (0, 0)>
#map1 = affine_map<(d0, d1) -> (0)>
#map2 = affine_map<(d0, d1) -> (0, 0, 0)>
module attributes {stable_mosaic.version = 14 : i64} {
  func.func @_sc_body(%arg0: i32, %arg1: i32, %arg2: memref<100000x768xf32, #tpu.memory_space<hbm>>, %arg3: memref<8192xi32, #tpu.memory_space<hbm>>, %arg4: memref<1024x8x16xf32, #tpu.memory_space<hbm>>, %arg5: memref<1024x768xf32, #tpu.memory_space<hbm>>, %arg6: memref<128xi32, #tpu.memory_space<vmem>>, %arg7: memref<128x768xf32, #tpu.memory_space<vmem>>, %arg8: memref<16x8x16xf32, #tpu.memory_space<vmem>>, %arg9: memref<16x768xf32, #tpu.memory_space<vmem>>, %arg10: memref<!tpu.dma_semaphore, #tpu.memory_space<semaphore_mem>>) attributes {dimension_semantics = [#tpu.dimension_semantics<core_parallel>, #tpu.dimension_semantics<subcore_parallel>], iteration_bounds = array<i64: 2, 16>, scalar_prefetch = 0 : i64, scratch_operands = 5 : i64, tpu.core_type = #tpu.core_type<sc_vector_subcore>, window_params = [{transform_indices = #map}, {transform_indices = #map1}, {transform_indices = #map2}, {transform_indices = #map}]} {
    %mul3A = arith.constant 2 : i32
    %mul3A_0 = arith.muli %arg1, %mul3A : i32
    %add3A = arith.addi %mul3A_0, %arg0 : i32
    %scan3A = arith.constant 0 : i32
    %scan3A_1 = arith.constant 0 : i32
    %scan3A_2 = arith.constant 2 : i32
    %scan3A_3 = arith.addi %scan3A_1, %scan3A_2 : i32
    %scan3A_4 = arith.constant 1 : i32
    %scan3A_5 = scf.for %scan3A_7 = %scan3A_1 to %scan3A_3 step %scan3A_4 iter_args(%scan3A_8 = %scan3A) -> (i32)  : i32 {
      %mul3A_9 = arith.constant 32 : i32
      %mul3A_10 = arith.muli %add3A, %mul3A_9 : i32
      %mul3A_11 = arith.constant 16 : i32
      %mul3A_12 = arith.muli %scan3A_7, %mul3A_11 : i32
      %add3A_13 = arith.addi %mul3A_10, %mul3A_12 : i32
      %mul3A_14 = arith.constant 8 : i32
      %mul3A_15 = arith.muli %add3A_13, %mul3A_14 : i32
      "tpu.region"() ({
        %run_scoped3A = tpu.sem_alloc : memref<!tpu.dma_semaphore, #tpu.memory_space<semaphore_mem>>
        %dma_start3A_28 = tpu.memref_slice %arg3[%mul3A_15] : memref<8192xi32, #tpu.memory_space<hbm>> -> memref<128xi32, #tpu.memory_space<hbm>>
        %dma_start3A_29 = tpu.memref_slice %arg3[%mul3A_15] : memref<8192xi32, #tpu.memory_space<hbm>> -> memref<128xi32, #tpu.memory_space<hbm>>
        tpu.enqueue_dma source(%dma_start3A_29 : memref<128xi32, #tpu.memory_space<hbm>>) target(%arg6 : memref<128xi32, #tpu.memory_space<vmem>>) target_semaphore(%run_scoped3A : memref<!tpu.dma_semaphore, #tpu.memory_space<semaphore_mem>>)
        %dma_wait3A_30 = tpu.memref_slice %arg3[%mul3A_15] : memref<8192xi32, #tpu.memory_space<hbm>> -> memref<128xi32, #tpu.memory_space<hbm>>
        %dma_wait3A_31 = tpu.memref_slice %arg3[%mul3A_15] : memref<8192xi32, #tpu.memory_space<hbm>> -> memref<128xi32, #tpu.memory_space<hbm>>
        tpu.wait_dma2 semaphore(%run_scoped3A : memref<!tpu.dma_semaphore, #tpu.memory_space<semaphore_mem>>) src(%dma_wait3A_31 : memref<128xi32, #tpu.memory_space<hbm>>) dst(%arg6 : memref<128xi32, #tpu.memory_space<vmem>>)
        tpu.yield
      }) : () -> ()
      %dma_start3A = arith.constant 0 : i32
      %dma_start3A_16 = arith.constant 0 : i32
      %dma_start3A_17 = tpu.memref_slice %arg2[%dma_start3A, %dma_start3A_16] : memref<100000x768xf32, #tpu.memory_space<hbm>> -> memref<100000x768xf32, #tpu.memory_space<hbm>>
      tpu.enqueue_indirect_dma source(%dma_start3A_17 : memref<100000x768xf32, #tpu.memory_space<hbm>>) target(%arg7 : memref<128x768xf32, #tpu.memory_space<vmem>>) offsets(%arg6 : memref<128xi32, #tpu.memory_space<vmem>>) semaphore(%arg10 : memref<!tpu.dma_semaphore, #tpu.memory_space<semaphore_mem>>)
      %dma_wait3A = arith.constant 0 : i32
      %dma_wait3A_18 = arith.constant 0 : i32
      %dma_wait3A_19 = tpu.memref_slice %arg2[%dma_wait3A, %dma_wait3A_18] : memref<100000x768xf32, #tpu.memory_space<hbm>> -> memref<100000x768xf32, #tpu.memory_space<hbm>>
      tpu.wait_indirect_dma semaphore(%arg10 : memref<!tpu.dma_semaphore, #tpu.memory_space<semaphore_mem>>) src(%dma_wait3A_19 : memref<100000x768xf32, #tpu.memory_space<hbm>>) dst(%arg7 : memref<128x768xf32, #tpu.memory_space<vmem>>)
      "tpu.region"() ({
        %run_scoped3A = tpu.sem_alloc : memref<!tpu.dma_semaphore, #tpu.memory_space<semaphore_mem>>
        %dma_start3A_28 = arith.constant 0 : i32
        %dma_start3A_29 = arith.constant 0 : i32
        %dma_start3A_30 = tpu.memref_slice %arg4[%add3A_13, %dma_start3A_28, %dma_start3A_29] : memref<1024x8x16xf32, #tpu.memory_space<hbm>> -> memref<16x8x16xf32, #tpu.memory_space<hbm>>
        %dma_start3A_31 = arith.constant 0 : i32
        %dma_start3A_32 = arith.constant 0 : i32
        %dma_start3A_33 = tpu.memref_slice %arg4[%add3A_13, %dma_start3A_31, %dma_start3A_32] : memref<1024x8x16xf32, #tpu.memory_space<hbm>> -> memref<16x8x16xf32, #tpu.memory_space<hbm>>
        tpu.enqueue_dma source(%dma_start3A_33 : memref<16x8x16xf32, #tpu.memory_space<hbm>>) target(%arg8 : memref<16x8x16xf32, #tpu.memory_space<vmem>>) target_semaphore(%run_scoped3A : memref<!tpu.dma_semaphore, #tpu.memory_space<semaphore_mem>>)
        %dma_wait3A_34 = arith.constant 0 : i32
        %dma_wait3A_35 = arith.constant 0 : i32
        %dma_wait3A_36 = tpu.memref_slice %arg4[%add3A_13, %dma_wait3A_34, %dma_wait3A_35] : memref<1024x8x16xf32, #tpu.memory_space<hbm>> -> memref<16x8x16xf32, #tpu.memory_space<hbm>>
        %dma_wait3A_37 = arith.constant 0 : i32
        %dma_wait3A_38 = arith.constant 0 : i32
        %dma_wait3A_39 = tpu.memref_slice %arg4[%add3A_13, %dma_wait3A_37, %dma_wait3A_38] : memref<1024x8x16xf32, #tpu.memory_space<hbm>> -> memref<16x8x16xf32, #tpu.memory_space<hbm>>
        tpu.wait_dma2 semaphore(%run_scoped3A : memref<!tpu.dma_semaphore, #tpu.memory_space<semaphore_mem>>) src(%dma_wait3A_39 : memref<16x8x16xf32, #tpu.memory_space<hbm>>) dst(%arg8 : memref<16x8x16xf32, #tpu.memory_space<vmem>>)
        tpu.yield
      }) : () -> ()
      %scan3A_20 = arith.constant 0 : i32
      %scan3A_21 = arith.constant 0 : i32
      %scan3A_22 = arith.constant 16 : i32
      %scan3A_23 = arith.addi %scan3A_21, %scan3A_22 : i32
      %scan3A_24 = arith.constant 1 : i32
      %scan3A_25 = scf.for %scan3A_28 = %scan3A_21 to %scan3A_23 step %scan3A_24 iter_args(%scan3A_29 = %scan3A_20) -> (i32)  : i32 {
        %scan3A_30 = arith.constant 0 : i32
        %scan3A_31 = arith.constant 0 : i32
        %scan3A_32 = arith.constant 48 : i32
        %scan3A_33 = arith.addi %scan3A_31, %scan3A_32 : i32
        %scan3A_34 = arith.constant 1 : i32
        %scan3A_35 = scf.for %scan3A_38 = %scan3A_31 to %scan3A_33 step %scan3A_34 iter_args(%scan3A_39 = %scan3A_30) -> (i32)  : i32 {
          %mul3A_40 = arith.constant 8 : i32
          %mul3A_41 = arith.muli %scan3A_28, %mul3A_40 : i32
          %mul3A_42 = arith.constant 16 : i32
          %mul3A_43 = arith.muli %scan3A_38, %mul3A_42 : i32
          %get3A = arith.index_cast %mul3A_41 : i32 to index
          %get3A_44 = arith.index_cast %mul3A_43 : i32 to index
          %get3A_45 = tpu.vector_load %arg7[%get3A, %get3A_44] {strides = array<i32>} : memref<128x768xf32, #tpu.memory_space<vmem>>, vector<1x16xf32>,
          %get3A_46 = vector.shape_cast %get3A_45 : vector<1x16xf32> to vector<16xf32>
          %get3A_47 = arith.constant 0 : i32
          %get3A_48 = arith.index_cast %scan3A_28 : i32 to index
          %get3A_49 = arith.index_cast %get3A_47 : i32 to index
          %get3A_50 = arith.constant 0 : index
          %get3A_51 = tpu.vector_load %arg8[%get3A_48, %get3A_49, %get3A_50] {strides = array<i32>} : memref<16x8x16xf32, #tpu.memory_space<vmem>>, vector<1x1x16xf32>,
          %get3A_52 = vector.shape_cast %get3A_51 : vector<1x1x16xf32> to vector<16xf32>
          %mul3A_53 = arith.mulf %get3A_46, %get3A_52 : vector<16xf32>
          %mul3A_54 = arith.constant 8 : i32
          %mul3A_55 = arith.muli %scan3A_28, %mul3A_54 : i32
          %add3A_56 = arith.constant 1 : i32
          %add3A_57 = arith.addi %mul3A_55, %add3A_56 : i32
          %mul3A_58 = arith.constant 16 : i32
          %mul3A_59 = arith.muli %scan3A_38, %mul3A_58 : i32
          %get3A_60 = arith.index_cast %add3A_57 : i32 to index
          %get3A_61 = arith.index_cast %mul3A_59 : i32 to index
          %get3A_62 = tpu.vector_load %arg7[%get3A_60, %get3A_61] {strides = array<i32>} : memref<128x768xf32, #tpu.memory_space<vmem>>, vector<1x16xf32>,
          %get3A_63 = vector.shape_cast %get3A_62 : vector<1x16xf32> to vector<16xf32>
          %get3A_64 = arith.constant 1 : i32
          %get3A_65 = arith.index_cast %scan3A_28 : i32 to index
          %get3A_66 = arith.index_cast %get3A_64 : i32 to index
          %get3A_67 = arith.constant 0 : index
          %get3A_68 = tpu.vector_load %arg8[%get3A_65, %get3A_66, %get3A_67] {strides = array<i32>} : memref<16x8x16xf32, #tpu.memory_space<vmem>>, vector<1x1x16xf32>,
          %get3A_69 = vector.shape_cast %get3A_68 : vector<1x1x16xf32> to vector<16xf32>
          %mul3A_70 = arith.mulf %get3A_63, %get3A_69 : vector<16xf32>
          %add3A_71 = arith.addf %mul3A_53, %mul3A_70 : vector<16xf32>
          %mul3A_72 = arith.constant 8 : i32
          %mul3A_73 = arith.muli %scan3A_28, %mul3A_72 : i32
          %add3A_74 = arith.constant 2 : i32
          %add3A_75 = arith.addi %mul3A_73, %add3A_74 : i32
          %mul3A_76 = arith.constant 16 : i32
          %mul3A_77 = arith.muli %scan3A_38, %mul3A_76 : i32
          %get3A_78 = arith.index_cast %add3A_75 : i32 to index
          %get3A_79 = arith.index_cast %mul3A_77 : i32 to index
          %get3A_80 = tpu.vector_load %arg7[%get3A_78, %get3A_79] {strides = array<i32>} : memref<128x768xf32, #tpu.memory_space<vmem>>, vector<1x16xf32>,
          %get3A_81 = vector.shape_cast %get3A_80 : vector<1x16xf32> to vector<16xf32>
          %get3A_82 = arith.constant 2 : i32
          %get3A_83 = arith.index_cast %scan3A_28 : i32 to index
          %get3A_84 = arith.index_cast %get3A_82 : i32 to index
          %get3A_85 = arith.constant 0 : index
          %get3A_86 = tpu.vector_load %arg8[%get3A_83, %get3A_84, %get3A_85] {strides = array<i32>} : memref<16x8x16xf32, #tpu.memory_space<vmem>>, vector<1x1x16xf32>,
          %get3A_87 = vector.shape_cast %get3A_86 : vector<1x1x16xf32> to vector<16xf32>
          %mul3A_88 = arith.mulf %get3A_81, %get3A_87 : vector<16xf32>
          %add3A_89 = arith.addf %add3A_71, %mul3A_88 : vector<16xf32>
          %mul3A_90 = arith.constant 8 : i32
          %mul3A_91 = arith.muli %scan3A_28, %mul3A_90 : i32
          %add3A_92 = arith.constant 3 : i32
          %add3A_93 = arith.addi %mul3A_91, %add3A_92 : i32
          %mul3A_94 = arith.constant 16 : i32
          %mul3A_95 = arith.muli %scan3A_38, %mul3A_94 : i32
          %get3A_96 = arith.index_cast %add3A_93 : i32 to index
          %get3A_97 = arith.index_cast %mul3A_95 : i32 to index
          %get3A_98 = tpu.vector_load %arg7[%get3A_96, %get3A_97] {strides = array<i32>} : memref<128x768xf32, #tpu.memory_space<vmem>>, vector<1x16xf32>,
          %get3A_99 = vector.shape_cast %get3A_98 : vector<1x16xf32> to vector<16xf32>
          %get3A_100 = arith.constant 3 : i32
          %get3A_101 = arith.index_cast %scan3A_28 : i32 to index
          %get3A_102 = arith.index_cast %get3A_100 : i32 to index
          %get3A_103 = arith.constant 0 : index
          %get3A_104 = tpu.vector_load %arg8[%get3A_101, %get3A_102, %get3A_103] {strides = array<i32>} : memref<16x8x16xf32, #tpu.memory_space<vmem>>, vector<1x1x16xf32>,
          %get3A_105 = vector.shape_cast %get3A_104 : vector<1x1x16xf32> to vector<16xf32>
          %mul3A_106 = arith.mulf %get3A_99, %get3A_105 : vector<16xf32>
          %add3A_107 = arith.addf %add3A_89, %mul3A_106 : vector<16xf32>
          %mul3A_108 = arith.constant 8 : i32
          %mul3A_109 = arith.muli %scan3A_28, %mul3A_108 : i32
          %add3A_110 = arith.constant 4 : i32
          %add3A_111 = arith.addi %mul3A_109, %add3A_110 : i32
          %mul3A_112 = arith.constant 16 : i32
          %mul3A_113 = arith.muli %scan3A_38, %mul3A_112 : i32
          %get3A_114 = arith.index_cast %add3A_111 : i32 to index
          %get3A_115 = arith.index_cast %mul3A_113 : i32 to index
          %get3A_116 = tpu.vector_load %arg7[%get3A_114, %get3A_115] {strides = array<i32>} : memref<128x768xf32, #tpu.memory_space<vmem>>, vector<1x16xf32>,
          %get3A_117 = vector.shape_cast %get3A_116 : vector<1x16xf32> to vector<16xf32>
          %get3A_118 = arith.constant 4 : i32
          %get3A_119 = arith.index_cast %scan3A_28 : i32 to index
          %get3A_120 = arith.index_cast %get3A_118 : i32 to index
          %get3A_121 = arith.constant 0 : index
          %get3A_122 = tpu.vector_load %arg8[%get3A_119, %get3A_120, %get3A_121] {strides = array<i32>} : memref<16x8x16xf32, #tpu.memory_space<vmem>>, vector<1x1x16xf32>,
          %get3A_123 = vector.shape_cast %get3A_122 : vector<1x1x16xf32> to vector<16xf32>
          %mul3A_124 = arith.mulf %get3A_117, %get3A_123 : vector<16xf32>
          %add3A_125 = arith.addf %add3A_107, %mul3A_124 : vector<16xf32>
          %mul3A_126 = arith.constant 8 : i32
          %mul3A_127 = arith.muli %scan3A_28, %mul3A_126 : i32
          %add3A_128 = arith.constant 5 : i32
          %add3A_129 = arith.addi %mul3A_127, %add3A_128 : i32
          %mul3A_130 = arith.constant 16 : i32
          %mul3A_131 = arith.muli %scan3A_38, %mul3A_130 : i32
          %get3A_132 = arith.index_cast %add3A_129 : i32 to index
          %get3A_133 = arith.index_cast %mul3A_131 : i32 to index
          %get3A_134 = tpu.vector_load %arg7[%get3A_132, %get3A_133] {strides = array<i32>} : memref<128x768xf32, #tpu.memory_space<vmem>>, vector<1x16xf32>,
          %get3A_135 = vector.shape_cast %get3A_134 : vector<1x16xf32> to vector<16xf32>
          %get3A_136 = arith.constant 5 : i32
          %get3A_137 = arith.index_cast %scan3A_28 : i32 to index
          %get3A_138 = arith.index_cast %get3A_136 : i32 to index
          %get3A_139 = arith.constant 0 : index
          %get3A_140 = tpu.vector_load %arg8[%get3A_137, %get3A_138, %get3A_139] {strides = array<i32>} : memref<16x8x16xf32, #tpu.memory_space<vmem>>, vector<1x1x16xf32>,
          %get3A_141 = vector.shape_cast %get3A_140 : vector<1x1x16xf32> to vector<16xf32>
          %mul3A_142 = arith.mulf %get3A_135, %get3A_141 : vector<16xf32>
          %add3A_143 = arith.addf %add3A_125, %mul3A_142 : vector<16xf32>
          %mul3A_144 = arith.constant 8 : i32
          %mul3A_145 = arith.muli %scan3A_28, %mul3A_144 : i32
          %add3A_146 = arith.constant 6 : i32
          %add3A_147 = arith.addi %mul3A_145, %add3A_146 : i32
          %mul3A_148 = arith.constant 16 : i32
          %mul3A_149 = arith.muli %scan3A_38, %mul3A_148 : i32
          %get3A_150 = arith.index_cast %add3A_147 : i32 to index
          %get3A_151 = arith.index_cast %mul3A_149 : i32 to index
          %get3A_152 = tpu.vector_load %arg7[%get3A_150, %get3A_151] {strides = array<i32>} : memref<128x768xf32, #tpu.memory_space<vmem>>, vector<1x16xf32>,
          %get3A_153 = vector.shape_cast %get3A_152 : vector<1x16xf32> to vector<16xf32>
          %get3A_154 = arith.constant 6 : i32
          %get3A_155 = arith.index_cast %scan3A_28 : i32 to index
          %get3A_156 = arith.index_cast %get3A_154 : i32 to index
          %get3A_157 = arith.constant 0 : index
          %get3A_158 = tpu.vector_load %arg8[%get3A_155, %get3A_156, %get3A_157] {strides = array<i32>} : memref<16x8x16xf32, #tpu.memory_space<vmem>>, vector<1x1x16xf32>,
          %get3A_159 = vector.shape_cast %get3A_158 : vector<1x1x16xf32> to vector<16xf32>
          %mul3A_160 = arith.mulf %get3A_153, %get3A_159 : vector<16xf32>
          %add3A_161 = arith.addf %add3A_143, %mul3A_160 : vector<16xf32>
          %mul3A_162 = arith.constant 8 : i32
          %mul3A_163 = arith.muli %scan3A_28, %mul3A_162 : i32
          %add3A_164 = arith.constant 7 : i32
          %add3A_165 = arith.addi %mul3A_163, %add3A_164 : i32
          %mul3A_166 = arith.constant 16 : i32
          %mul3A_167 = arith.muli %scan3A_38, %mul3A_166 : i32
          %get3A_168 = arith.index_cast %add3A_165 : i32 to index
          %get3A_169 = arith.index_cast %mul3A_167 : i32 to index
          %get3A_170 = tpu.vector_load %arg7[%get3A_168, %get3A_169] {strides = array<i32>} : memref<128x768xf32, #tpu.memory_space<vmem>>, vector<1x16xf32>,
          %get3A_171 = vector.shape_cast %get3A_170 : vector<1x16xf32> to vector<16xf32>
          %get3A_172 = arith.constant 7 : i32
          %get3A_173 = arith.index_cast %scan3A_28 : i32 to index
          %get3A_174 = arith.index_cast %get3A_172 : i32 to index
          %get3A_175 = arith.constant 0 : index
          %get3A_176 = tpu.vector_load %arg8[%get3A_173, %get3A_174, %get3A_175] {strides = array<i32>} : memref<16x8x16xf32, #tpu.memory_space<vmem>>, vector<1x1x16xf32>,
          %get3A_177 = vector.shape_cast %get3A_176 : vector<1x1x16xf32> to vector<16xf32>
          %mul3A_178 = arith.mulf %get3A_171, %get3A_177 : vector<16xf32>
          %add3A_179 = arith.addf %add3A_161, %mul3A_178 : vector<16xf32>
          %mul3A_180 = arith.constant 16 : i32
          %mul3A_181 = arith.muli %scan3A_38, %mul3A_180 : i32
          %swap3A = arith.index_cast %scan3A_28 : i32 to index
          %swap3A_182 = arith.index_cast %mul3A_181 : i32 to index
          %swap3A_183 = tpu.vector_load %arg9[%swap3A, %swap3A_182] {strides = array<i32>} : memref<16x768xf32, #tpu.memory_space<vmem>>, vector<1x16xf32>,
          %swap3A_184 = vector.shape_cast %swap3A_183 : vector<1x16xf32> to vector<16xf32>
          %swap3A_185 = vector.shape_cast %add3A_179 : vector<16xf32> to vector<1x16xf32>
          tpu.vector_store %arg9[%swap3A, %swap3A_182], %swap3A_185 {strides = array<i32>} : memref<16x768xf32, #tpu.memory_space<vmem>>, vector<1x16xf32>,
          %scan3A_186 = arith.constant 0 : i32
          scf.yield %scan3A_186 : i32
        }
        %scan3A_36 = arith.constant 48 : i32
        %scan3A_37 = arith.constant 0 : i32
        scf.yield %scan3A_37 : i32
      }
      %scan3A_26 = arith.constant 16 : i32
      "tpu.region"() ({
        %run_scoped3A = tpu.sem_alloc : memref<!tpu.dma_semaphore, #tpu.memory_space<semaphore_mem>>
        %dma_start3A_28 = arith.constant 0 : i32
        %dma_start3A_29 = tpu.memref_slice %arg5[%add3A_13, %dma_start3A_28] : memref<1024x768xf32, #tpu.memory_space<hbm>> -> memref<16x768xf32, #tpu.memory_space<hbm>>
        %dma_start3A_30 = arith.constant 0 : i32
        %dma_start3A_31 = tpu.memref_slice %arg5[%add3A_13, %dma_start3A_30] : memref<1024x768xf32, #tpu.memory_space<hbm>> -> memref<16x768xf32, #tpu.memory_space<hbm>>
        tpu.enqueue_dma source(%arg9 : memref<16x768xf32, #tpu.memory_space<vmem>>) target(%dma_start3A_31 : memref<16x768xf32, #tpu.memory_space<hbm>>) target_semaphore(%run_scoped3A : memref<!tpu.dma_semaphore, #tpu.memory_space<semaphore_mem>>)
        %dma_wait3A_32 = arith.constant 0 : i32
        %dma_wait3A_33 = tpu.memref_slice %arg5[%add3A_13, %dma_wait3A_32] : memref<1024x768xf32, #tpu.memory_space<hbm>> -> memref<16x768xf32, #tpu.memory_space<hbm>>
        %dma_wait3A_34 = arith.constant 0 : i32
        %dma_wait3A_35 = tpu.memref_slice %arg5[%add3A_13, %dma_wait3A_34] : memref<1024x768xf32, #tpu.memory_space<hbm>> -> memref<16x768xf32, #tpu.memory_space<hbm>>
        tpu.wait_dma2 semaphore(%run_scoped3A : memref<!tpu.dma_semaphore, #tpu.memory_space<semaphore_mem>>) src(%arg9 : memref<16x768xf32, #tpu.memory_space<vmem>>) dst(%dma_wait3A_35 : memref<16x768xf32, #tpu.memory_space<hbm>>)
        tpu.yield
      }) : () -> ()
      %scan3A_27 = arith.constant 0 : i32
      scf.yield %scan3A_27 : i32
    }
    %scan3A_6 = arith.constant 2 : i32
    return
  }
}

module attributes {stable_mosaic.version = 14 : i64} {
  func.func @_phase1_body(%arg0: i32, %arg1: i32, %arg2: memref<256x768xf32, #tpu.memory_space<vmem>>, %arg3: memref<768x8xf32, #tpu.memory_space<vmem>>, %arg4: memref<768x512xf32, #tpu.memory_space<vmem>>, %arg5: memref<2048x64xf32, #tpu.memory_space<vmem>>, %arg6: memref<256x8xi32, #tpu.memory_space<vmem>>, %arg7: memref<256x128xf32, #tpu.memory_space<vmem>>, %arg8: memref<256x64xf32, #tpu.memory_space<vmem>>, %arg9: memref<256x8xf32, #tpu.memory_space<vmem>>, %arg10: memref<256x8xi32, #tpu.memory_space<vmem>>, %arg11: memref<256x2048xf32, #tpu.memory_space<vmem>>) attributes {dimension_semantics = [#tpu.dimension_semantics<arbitrary>, #tpu.dimension_semantics<arbitrary>], iteration_bounds = array<i64: 4, 49>, scalar_prefetch = 0 : i64, scratch_operands = 4 : i64, tpu.core_type = #tpu.core_type<tc>, window_params = [{transform_indices = @transform_0, window_bounds = array<i64: 256, 768>}, {pipeline_mode = #tpu.pipeline_mode<synchronous>, transform_indices = @transform_1, window_bounds = array<i64: 768, 8>}, {pipeline_mode = #tpu.pipeline_mode<synchronous>, transform_indices = @transform_2, window_bounds = array<i64: 768, 512>}, {transform_indices = @transform_3, window_bounds = array<i64: 2048, 64>}, {transform_indices = @transform_4, window_bounds = array<i64: 256, 8>}, {transform_indices = @transform_5, window_bounds = array<i64: 256, 128>}]} {
    %eq3A = arith.constant 0 : i32
    %eq3A_0 = arith.cmpi eq, %arg1, %eq3A : i32
    %convert_element_type3A = arith.extui %eq3A_0 : i1 to i32
    %cond3A = arith.constant 0 : i32
    %cond3A_1 = arith.cmpi ne, %convert_element_type3A, %cond3A : i32
    scf.if %cond3A_1 {
      %get3A_54 = arith.constant 0 : index
      %get3A_55 = arith.constant 0 : index
      %get3A_56 = vector.load %arg2[%get3A_54, %get3A_55] : memref<256x768xf32, #tpu.memory_space<vmem>>, vector<256x768xf32>
      %get3A_57 = arith.constant 0 : index
      %get3A_58 = arith.constant 0 : index
      %get3A_59 = vector.load %arg3[%get3A_57, %get3A_58] : memref<768x8xf32, #tpu.memory_space<vmem>>, vector<768x8xf32>
      %dot_general3A_60 = arith.constant dense<0.000000e+00> : vector<256x8xf32>
      %dot_general3A_61 = tpu.matmul %get3A_56, %get3A_59, %dot_general3A_60 {dimension_numbers = #tpu.dot_dimension_numbers<[1], [0], [0], [1], [0, 0, 1, 1], [], []>, transpose_lhs_hint = false} : vector<256x768xf32>, vector<768x8xf32>, vector<256x8xf32> -> vector<256x8xf32>
      %reduce_max3A_62 = arith.constant dense<0xFF800000> : vector<256xf32>
      %reduce_max3A_63 = vector.multi_reduction <maximumf>, %dot_general3A_61, %reduce_max3A_62 [1] : vector<256x8xf32> to vector<256xf32>
      %broadcast_in_dim3A_64 = vector.shape_cast %reduce_max3A_63 : vector<256xf32> to vector<256x1xf32>
      %sub3A = vector.broadcast %broadcast_in_dim3A_64 : vector<256x1xf32> to vector<256x8xf32>
      %sub3A_65 = arith.subf %dot_general3A_61, %sub3A : vector<256x8xf32>
      %exp3A = math.exp %sub3A_65 : vector<256x8xf32>
      %reduce_sum3A_66 = arith.constant dense<0.000000e+00> : vector<256xf32>
      %reduce_sum3A_67 = vector.multi_reduction <add>, %exp3A, %reduce_sum3A_66 [1] : vector<256x8xf32> to vector<256xf32>
      %broadcast_in_dim3A_68 = vector.shape_cast %reduce_sum3A_67 : vector<256xf32> to vector<256x1xf32>
      %div3A = vector.broadcast %broadcast_in_dim3A_68 : vector<256x1xf32> to vector<256x8xf32>
      %div3A_69 = arith.divf %exp3A, %div3A : vector<256x8xf32>
      %broadcast_in_dim3A_70 = arith.constant 0.000000e+00 : f32
      %broadcast_in_dim3A_71 = vector.broadcast %broadcast_in_dim3A_70 : f32 to vector<256x64xf32>
      %get3A_72 = arith.constant 0 : index
      %get3A_73 = arith.constant 0 : index
      %get3A_74 = vector.load %arg4[%get3A_72, %get3A_73] : memref<768x512xf32, #tpu.memory_space<vmem>>, vector<768x64xf32>
      %dot_general3A_75 = arith.constant dense<0.000000e+00> : vector<256x64xf32>
      %dot_general3A_76 = tpu.matmul %get3A_56, %get3A_74, %dot_general3A_75 {dimension_numbers = #tpu.dot_dimension_numbers<[1], [0], [0], [1], [0, 0, 1, 1], [], []>, transpose_lhs_hint = false} : vector<256x768xf32>, vector<768x64xf32>, vector<256x64xf32> -> vector<256x64xf32>
      %slice3A_77 = vector.extract_strided_slice %div3A_69 {offsets = [0, 0], sizes = [256, 1], strides = [1, 1]} : vector<256x8xf32> to vector<256x1xf32>
      %mul3A_78 = vector.broadcast %slice3A_77 : vector<256x1xf32> to vector<256x64xf32>
      %mul3A_79 = arith.mulf %dot_general3A_76, %mul3A_78 : vector<256x64xf32>
      %add3A_80 = arith.addf %broadcast_in_dim3A_71, %mul3A_79 : vector<256x64xf32>
      %get3A_81 = arith.constant 0 : index
      %get3A_82 = arith.constant 64 : index
      %get3A_83 = vector.load %arg4[%get3A_81, %get3A_82] : memref<768x512xf32, #tpu.memory_space<vmem>>, vector<768x64xf32>
      %dot_general3A_84 = arith.constant dense<0.000000e+00> : vector<256x64xf32>
      %dot_general3A_85 = tpu.matmul %get3A_56, %get3A_83, %dot_general3A_84 {dimension_numbers = #tpu.dot_dimension_numbers<[1], [0], [0], [1], [0, 0, 1, 1], [], []>, transpose_lhs_hint = false} : vector<256x768xf32>, vector<768x64xf32>, vector<256x64xf32> -> vector<256x64xf32>
      %slice3A_86 = vector.extract_strided_slice %div3A_69 {offsets = [0, 1], sizes = [256, 1], strides = [1, 1]} : vector<256x8xf32> to vector<256x1xf32>
      %mul3A_87 = vector.broadcast %slice3A_86 : vector<256x1xf32> to vector<256x64xf32>
      %mul3A_88 = arith.mulf %dot_general3A_85, %mul3A_87 : vector<256x64xf32>
      %add3A_89 = arith.addf %add3A_80, %mul3A_88 : vector<256x64xf32>
      %get3A_90 = arith.constant 0 : index
      %get3A_91 = arith.constant 128 : index
      %get3A_92 = vector.load %arg4[%get3A_90, %get3A_91] : memref<768x512xf32, #tpu.memory_space<vmem>>, vector<768x64xf32>
      %dot_general3A_93 = arith.constant dense<0.000000e+00> : vector<256x64xf32>
      %dot_general3A_94 = tpu.matmul %get3A_56, %get3A_92, %dot_general3A_93 {dimension_numbers = #tpu.dot_dimension_numbers<[1], [0], [0], [1], [0, 0, 1, 1], [], []>, transpose_lhs_hint = false} : vector<256x768xf32>, vector<768x64xf32>, vector<256x64xf32> -> vector<256x64xf32>
      %slice3A_95 = vector.extract_strided_slice %div3A_69 {offsets = [0, 2], sizes = [256, 1], strides = [1, 1]} : vector<256x8xf32> to vector<256x1xf32>
      %mul3A_96 = vector.broadcast %slice3A_95 : vector<256x1xf32> to vector<256x64xf32>
      %mul3A_97 = arith.mulf %dot_general3A_94, %mul3A_96 : vector<256x64xf32>
      %add3A_98 = arith.addf %add3A_89, %mul3A_97 : vector<256x64xf32>
      %get3A_99 = arith.constant 0 : index
      %get3A_100 = arith.constant 192 : index
      %get3A_101 = vector.load %arg4[%get3A_99, %get3A_100] : memref<768x512xf32, #tpu.memory_space<vmem>>, vector<768x64xf32>
      %dot_general3A_102 = arith.constant dense<0.000000e+00> : vector<256x64xf32>
      %dot_general3A_103 = tpu.matmul %get3A_56, %get3A_101, %dot_general3A_102 {dimension_numbers = #tpu.dot_dimension_numbers<[1], [0], [0], [1], [0, 0, 1, 1], [], []>, transpose_lhs_hint = false} : vector<256x768xf32>, vector<768x64xf32>, vector<256x64xf32> -> vector<256x64xf32>
      %slice3A_104 = vector.extract_strided_slice %div3A_69 {offsets = [0, 3], sizes = [256, 1], strides = [1, 1]} : vector<256x8xf32> to vector<256x1xf32>
      %mul3A_105 = vector.broadcast %slice3A_104 : vector<256x1xf32> to vector<256x64xf32>
      %mul3A_106 = arith.mulf %dot_general3A_103, %mul3A_105 : vector<256x64xf32>
      %add3A_107 = arith.addf %add3A_98, %mul3A_106 : vector<256x64xf32>
      %get3A_108 = arith.constant 0 : index
      %get3A_109 = arith.constant 256 : index
      %get3A_110 = vector.load %arg4[%get3A_108, %get3A_109] : memref<768x512xf32, #tpu.memory_space<vmem>>, vector<768x64xf32>
      %dot_general3A_111 = arith.constant dense<0.000000e+00> : vector<256x64xf32>
      %dot_general3A_112 = tpu.matmul %get3A_56, %get3A_110, %dot_general3A_111 {dimension_numbers = #tpu.dot_dimension_numbers<[1], [0], [0], [1], [0, 0, 1, 1], [], []>, transpose_lhs_hint = false} : vector<256x768xf32>, vector<768x64xf32>, vector<256x64xf32> -> vector<256x64xf32>
      %slice3A_113 = vector.extract_strided_slice %div3A_69 {offsets = [0, 4], sizes = [256, 1], strides = [1, 1]} : vector<256x8xf32> to vector<256x1xf32>
      %mul3A_114 = vector.broadcast %slice3A_113 : vector<256x1xf32> to vector<256x64xf32>
      %mul3A_115 = arith.mulf %dot_general3A_112, %mul3A_114 : vector<256x64xf32>
      %add3A_116 = arith.addf %add3A_107, %mul3A_115 : vector<256x64xf32>
      %get3A_117 = arith.constant 0 : index
      %get3A_118 = arith.constant 320 : index
      %get3A_119 = vector.load %arg4[%get3A_117, %get3A_118] : memref<768x512xf32, #tpu.memory_space<vmem>>, vector<768x64xf32>
      %dot_general3A_120 = arith.constant dense<0.000000e+00> : vector<256x64xf32>
      %dot_general3A_121 = tpu.matmul %get3A_56, %get3A_119, %dot_general3A_120 {dimension_numbers = #tpu.dot_dimension_numbers<[1], [0], [0], [1], [0, 0, 1, 1], [], []>, transpose_lhs_hint = false} : vector<256x768xf32>, vector<768x64xf32>, vector<256x64xf32> -> vector<256x64xf32>
      %slice3A_122 = vector.extract_strided_slice %div3A_69 {offsets = [0, 5], sizes = [256, 1], strides = [1, 1]} : vector<256x8xf32> to vector<256x1xf32>
      %mul3A_123 = vector.broadcast %slice3A_122 : vector<256x1xf32> to vector<256x64xf32>
      %mul3A_124 = arith.mulf %dot_general3A_121, %mul3A_123 : vector<256x64xf32>
      %add3A_125 = arith.addf %add3A_116, %mul3A_124 : vector<256x64xf32>
      %get3A_126 = arith.constant 0 : index
      %get3A_127 = arith.constant 384 : index
      %get3A_128 = vector.load %arg4[%get3A_126, %get3A_127] : memref<768x512xf32, #tpu.memory_space<vmem>>, vector<768x64xf32>
      %dot_general3A_129 = arith.constant dense<0.000000e+00> : vector<256x64xf32>
      %dot_general3A_130 = tpu.matmul %get3A_56, %get3A_128, %dot_general3A_129 {dimension_numbers = #tpu.dot_dimension_numbers<[1], [0], [0], [1], [0, 0, 1, 1], [], []>, transpose_lhs_hint = false} : vector<256x768xf32>, vector<768x64xf32>, vector<256x64xf32> -> vector<256x64xf32>
      %slice3A_131 = vector.extract_strided_slice %div3A_69 {offsets = [0, 6], sizes = [256, 1], strides = [1, 1]} : vector<256x8xf32> to vector<256x1xf32>
      %mul3A_132 = vector.broadcast %slice3A_131 : vector<256x1xf32> to vector<256x64xf32>
      %mul3A_133 = arith.mulf %dot_general3A_130, %mul3A_132 : vector<256x64xf32>
      %add3A_134 = arith.addf %add3A_125, %mul3A_133 : vector<256x64xf32>
      %get3A_135 = arith.constant 0 : index
      %get3A_136 = arith.constant 448 : index
      %get3A_137 = vector.load %arg4[%get3A_135, %get3A_136] : memref<768x512xf32, #tpu.memory_space<vmem>>, vector<768x64xf32>
      %dot_general3A_138 = arith.constant dense<0.000000e+00> : vector<256x64xf32>
      %dot_general3A_139 = tpu.matmul %get3A_56, %get3A_137, %dot_general3A_138 {dimension_numbers = #tpu.dot_dimension_numbers<[1], [0], [0], [1], [0, 0, 1, 1], [], []>, transpose_lhs_hint = false} : vector<256x768xf32>, vector<768x64xf32>, vector<256x64xf32> -> vector<256x64xf32>
      %slice3A_140 = vector.extract_strided_slice %div3A_69 {offsets = [0, 7], sizes = [256, 1], strides = [1, 1]} : vector<256x8xf32> to vector<256x1xf32>
      %mul3A_141 = vector.broadcast %slice3A_140 : vector<256x1xf32> to vector<256x64xf32>
      %mul3A_142 = arith.mulf %dot_general3A_139, %mul3A_141 : vector<256x64xf32>
      %add3A_143 = arith.addf %add3A_134, %mul3A_142 : vector<256x64xf32>
      %swap3A_144 = arith.constant 0 : index
      %swap3A_145 = arith.constant 0 : index
      %swap3A_146 = vector.load %arg8[%swap3A_144, %swap3A_145] : memref<256x64xf32, #tpu.memory_space<vmem>>, vector<256x64xf32>
      tpu.vector_store %arg8[%swap3A_144, %swap3A_145], %add3A_143 {strides = array<i32>} : memref<256x64xf32, #tpu.memory_space<vmem>>, vector<256x64xf32>,
      %broadcast_in_dim3A_147 = arith.constant -3.000000e+38 : f32
      %broadcast_in_dim3A_148 = vector.broadcast %broadcast_in_dim3A_147 : f32 to vector<256x8xf32>
      %swap3A_149 = arith.constant 0 : index
      %swap3A_150 = arith.constant 0 : index
      %swap3A_151 = vector.load %arg9[%swap3A_149, %swap3A_150] : memref<256x8xf32, #tpu.memory_space<vmem>>, vector<256x8xf32>
      tpu.vector_store %arg9[%swap3A_149, %swap3A_150], %broadcast_in_dim3A_148 {strides = array<i32>} : memref<256x8xf32, #tpu.memory_space<vmem>>, vector<256x8xf32>,
      %broadcast_in_dim3A_152 = arith.constant 0 : i32
      %broadcast_in_dim3A_153 = vector.broadcast %broadcast_in_dim3A_152 : i32 to vector<256x8xi32>
      %swap3A_154 = arith.constant 0 : index
      %swap3A_155 = arith.constant 0 : index
      %swap3A_156 = vector.load %arg10[%swap3A_154, %swap3A_155] : memref<256x8xi32, #tpu.memory_space<vmem>>, vector<256x8xi32>
      tpu.vector_store %arg10[%swap3A_154, %swap3A_155], %broadcast_in_dim3A_153 {strides = array<i32>} : memref<256x8xi32, #tpu.memory_space<vmem>>, vector<256x8xi32>,
    } else {
    }
    %mul3A = arith.constant 2048 : i32
    %mul3A_2 = arith.muli %arg1, %mul3A : i32
    %get3A = arith.constant 0 : index
    %get3A_3 = arith.constant 0 : index
    %get3A_4 = vector.load %arg8[%get3A, %get3A_3] : memref<256x64xf32, #tpu.memory_space<vmem>>, vector<256x64xf32>
    %get3A_5 = arith.constant 0 : index
    %get3A_6 = arith.constant 0 : index
    %get3A_7 = vector.load %arg5[%get3A_5, %get3A_6] : memref<2048x64xf32, #tpu.memory_space<vmem>>, vector<2048x64xf32>
    %dot_general3A = arith.constant dense<0.000000e+00> : vector<256x2048xf32>
    %dot_general3A_8 = tpu.matmul %get3A_4, %get3A_7, %dot_general3A {dimension_numbers = #tpu.dot_dimension_numbers<[1], [1], [0], [0], [0, 0, 1, 0], [], []>, transpose_lhs_hint = false} : vector<256x64xf32>, vector<2048x64xf32>, vector<256x2048xf32> -> vector<256x2048xf32>
    %mul3A_9 = arith.constant 1.250000e-01 : f32
    %mul3A_10 = vector.broadcast %mul3A_9 : f32 to vector<256x2048xf32>
    %mul3A_11 = arith.mulf %dot_general3A_8, %mul3A_10 : vector<256x2048xf32>
    %iota3A = tpu.iota {dimensions = array<i32: 1>} : vector<256x2048xi32>
    %add3A = vector.broadcast %mul3A_2 : i32 to vector<256x2048xi32>
    %add3A_12 = arith.addi %iota3A, %add3A : vector<256x2048xi32>
    %lt3A = arith.constant 100000 : i32
    %lt3A_13 = vector.broadcast %lt3A : i32 to vector<256x2048xi32>
    %lt3A_14 = arith.cmpi slt, %add3A_12, %lt3A_13 : vector<256x2048xi32>
    %jit3A = arith.constant -3.000000e+38 : f32
    %broadcast_in_dim3A = vector.broadcast %jit3A : f32 to vector<256x2048xf32>
    %select_n3A = arith.select %lt3A_14, %mul3A_11, %broadcast_in_dim3A : vector<256x2048xi1>, vector<256x2048xf32>
    %get3A_15 = arith.constant 0 : index
    %get3A_16 = arith.constant 0 : index
    %get3A_17 = vector.load %arg9[%get3A_15, %get3A_16] : memref<256x8xf32, #tpu.memory_space<vmem>>, vector<256x8xf32>
    %get3A_18 = arith.constant 0 : index
    %get3A_19 = arith.constant 0 : index
    %get3A_20 = vector.load %arg10[%get3A_18, %get3A_19] : memref<256x8xi32, #tpu.memory_space<vmem>>, vector<256x8xi32>
    %slice3A = vector.extract_strided_slice %get3A_17 {offsets = [0, 7], sizes = [256, 1], strides = [1, 1]} : vector<256x8xf32> to vector<256x1xf32>
    %gt3A = vector.broadcast %slice3A : vector<256x1xf32> to vector<256x2048xf32>
    %gt3A_21 = arith.cmpf ogt, %select_n3A, %gt3A : vector<256x2048xf32>
    %convert_element_type3A_22 = arith.extui %gt3A_21 : vector<256x2048xi1> to vector<256x2048xi32>
    %reduce_sum3A = arith.constant dense<0> : vector<256xi32>
    %reduce_sum3A_23 = vector.multi_reduction <add>, %convert_element_type3A_22, %reduce_sum3A [1] : vector<256x2048xi32> to vector<256xi32>
    %min3A = arith.constant 8 : i32
    %min3A_24 = vector.broadcast %min3A : i32 to vector<256xi32>
    %min3A_25 = arith.minsi %reduce_sum3A_23, %min3A_24 : vector<256xi32>
    %reduce_max3A = vector.shape_cast %min3A_25 : vector<256xi32> to vector<1x256xi32>
    %reduce_max3A_26 = arith.constant dense<-2147483648> : vector<1xi32>
    %reduce_max3A_27 = vector.multi_reduction <maxsi>, %reduce_max3A, %reduce_max3A_26 [1] : vector<1x256xi32> to vector<1xi32>
    %reduce_max3A_28 = vector.shape_cast %reduce_max3A_27 : vector<1xi32> to vector<1x1xi32>
    %reduce_max3A_29 = vector.extract %reduce_max3A_28[0, 0] : i32 from vector<1x1xi32>
    %swap3A = arith.constant 0 : index
    %swap3A_30 = arith.constant 0 : index
    %swap3A_31 = vector.load %arg11[%swap3A, %swap3A_30] : memref<256x2048xf32, #tpu.memory_space<vmem>>, vector<256x2048xf32>
    tpu.vector_store %arg11[%swap3A, %swap3A_30], %select_n3A {strides = array<i32>} : memref<256x2048xf32, #tpu.memory_space<vmem>>, vector<256x2048xf32>,
    %iota3A_32 = tpu.iota {dimensions = array<i32: 1>} : vector<256x8xi32>
    %while3A = arith.constant 0 : i32
    %while3A_33 = arith.subi %reduce_max3A_29, %while3A : i32
    %while3A_34 = arith.addi %while3A, %while3A_33 : i32
    %while3A_35 = arith.constant 1 : i32
    %while3A_36 = arith.divsi %while3A_33, %while3A_35 : i32
    %while3A_37 = arith.muli %while3A_36, %while3A_35 : i32
    %while3A_38 = arith.addi %while3A, %while3A_37 : i32
    %while3A_39 = arith.constant 1 : i32
    %while3A_40:2 = scf.for %while3A_54 = %while3A to %while3A_38 step %while3A_39 iter_args(%while3A_55 = %get3A_17, %while3A_56 = %get3A_20) -> (vector<256x8xf32>, vector<256x8xi32>)  : i32 {
      %get3A_57 = arith.constant 0 : index
      %get3A_58 = arith.constant 0 : index
      %get3A_59 = vector.load %arg11[%get3A_57, %get3A_58] : memref<256x2048xf32, #tpu.memory_space<vmem>>, vector<256x2048xf32>
      %reduce_max3A_60 = arith.constant dense<0xFF800000> : vector<256xf32>
      %reduce_max3A_61 = vector.multi_reduction <maximumf>, %get3A_59, %reduce_max3A_60 [1] : vector<256x2048xf32> to vector<256xf32>
      %broadcast_in_dim3A_62 = vector.shape_cast %reduce_max3A_61 : vector<256xf32> to vector<256x1xf32>
      %eq3A_63 = vector.broadcast %broadcast_in_dim3A_62 : vector<256x1xf32> to vector<256x2048xf32>
      %eq3A_64 = arith.cmpf oeq, %get3A_59, %eq3A_63 : vector<256x2048xf32>
      %jit3A_65 = arith.constant 1073741824 : i32
      %broadcast_in_dim3A_66 = vector.broadcast %jit3A_65 : i32 to vector<256x2048xi32>
      %select_n3A_67 = arith.select %eq3A_64, %iota3A, %broadcast_in_dim3A_66 : vector<256x2048xi1>, vector<256x2048xi32>
      %reduce_min3A = arith.constant dense<2147483647> : vector<256xi32>
      %reduce_min3A_68 = vector.multi_reduction <minsi>, %select_n3A_67, %reduce_min3A [1] : vector<256x2048xi32> to vector<256xi32>
      %broadcast_in_dim3A_69 = vector.shape_cast %reduce_min3A_68 : vector<256xi32> to vector<256x1xi32>
      %eq3A_70 = vector.broadcast %broadcast_in_dim3A_69 : vector<256x1xi32> to vector<256x2048xi32>
      %eq3A_71 = arith.cmpi eq, %iota3A, %eq3A_70 : vector<256x2048xi32>
      %jit3A_72 = arith.constant -3.000000e+38 : f32
      %broadcast_in_dim3A_73 = vector.broadcast %jit3A_72 : f32 to vector<256x2048xf32>
      %select_n3A_74 = arith.select %eq3A_71, %broadcast_in_dim3A_73, %get3A_59 : vector<256x2048xi1>, vector<256x2048xf32>
      %swap3A_75 = arith.constant 0 : index
      %swap3A_76 = arith.constant 0 : index
      %swap3A_77 = vector.load %arg11[%swap3A_75, %swap3A_76] : memref<256x2048xf32, #tpu.memory_space<vmem>>, vector<256x2048xf32>
      tpu.vector_store %arg11[%swap3A_75, %swap3A_76], %select_n3A_74 {strides = array<i32>} : memref<256x2048xf32, #tpu.memory_space<vmem>>, vector<256x2048xf32>,
      %add3A_78 = vector.broadcast %mul3A_2 : i32 to vector<256x1xi32>
      %add3A_79 = arith.addi %broadcast_in_dim3A_69, %add3A_78 : vector<256x1xi32>
      %ge3A = vector.broadcast %broadcast_in_dim3A_62 : vector<256x1xf32> to vector<256x8xf32>
      %ge3A_80 = arith.cmpf oge, %while3A_55, %ge3A : vector<256x8xf32>
      %convert_element_type3A_81 = arith.extui %ge3A_80 : vector<256x8xi1> to vector<256x8xi32>
      %reduce_sum3A_82 = arith.constant dense<0> : vector<256xi32>
      %reduce_sum3A_83 = vector.multi_reduction <add>, %convert_element_type3A_81, %reduce_sum3A_82 [1] : vector<256x8xi32> to vector<256xi32>
      %broadcast_in_dim3A_84 = vector.shape_cast %reduce_sum3A_83 : vector<256xi32> to vector<256x1xi32>
      %slice3A_85 = vector.extract_strided_slice %while3A_55 {offsets = [0, 0], sizes = [256, 1], strides = [1, 1]} : vector<256x8xf32> to vector<256x1xf32>
      %slice3A_86 = vector.extract_strided_slice %while3A_55 {offsets = [0, 0], sizes = [256, 7], strides = [1, 1]} : vector<256x8xf32> to vector<256x7xf32>
      %concatenate3A = tpu.concatenate %slice3A_85, %slice3A_86 in 1 : vector<256x1xf32>, vector<256x7xf32> -> vector<256x8xf32>
      %slice3A_87 = vector.extract_strided_slice %while3A_56 {offsets = [0, 0], sizes = [256, 1], strides = [1, 1]} : vector<256x8xi32> to vector<256x1xi32>
      %slice3A_88 = vector.extract_strided_slice %while3A_56 {offsets = [0, 0], sizes = [256, 7], strides = [1, 1]} : vector<256x8xi32> to vector<256x7xi32>
      %concatenate3A_89 = tpu.concatenate %slice3A_87, %slice3A_88 in 1 : vector<256x1xi32>, vector<256x7xi32> -> vector<256x8xi32>
      %lt3A_90 = vector.broadcast %broadcast_in_dim3A_84 : vector<256x1xi32> to vector<256x8xi32>
      %lt3A_91 = arith.cmpi slt, %iota3A_32, %lt3A_90 : vector<256x8xi32>
      %eq3A_92 = vector.broadcast %broadcast_in_dim3A_84 : vector<256x1xi32> to vector<256x8xi32>
      %eq3A_93 = arith.cmpi eq, %iota3A_32, %eq3A_92 : vector<256x8xi32>
      %broadcast_in_dim3A_94 = vector.shape_cast %broadcast_in_dim3A_62 : vector<256x1xf32> to vector<256x1xf32>
      %broadcast_in_dim3A_95 = vector.broadcast %broadcast_in_dim3A_94 : vector<256x1xf32> to vector<256x8xf32>
      %select_n3A_96 = arith.select %eq3A_93, %broadcast_in_dim3A_95, %concatenate3A : vector<256x8xi1>, vector<256x8xf32>
      %select_n3A_97 = arith.select %lt3A_91, %while3A_55, %select_n3A_96 : vector<256x8xi1>, vector<256x8xf32>
      %lt3A_98 = vector.broadcast %broadcast_in_dim3A_84 : vector<256x1xi32> to vector<256x8xi32>
      %lt3A_99 = arith.cmpi slt, %iota3A_32, %lt3A_98 : vector<256x8xi32>
      %eq3A_100 = vector.broadcast %broadcast_in_dim3A_84 : vector<256x1xi32> to vector<256x8xi32>
      %eq3A_101 = arith.cmpi eq, %iota3A_32, %eq3A_100 : vector<256x8xi32>
      %broadcast_in_dim3A_102 = vector.shape_cast %add3A_79 : vector<256x1xi32> to vector<256x1xi32>
      %broadcast_in_dim3A_103 = vector.broadcast %broadcast_in_dim3A_102 : vector<256x1xi32> to vector<256x8xi32>
      %select_n3A_104 = arith.select %eq3A_101, %broadcast_in_dim3A_103, %concatenate3A_89 : vector<256x8xi1>, vector<256x8xi32>
      %select_n3A_105 = arith.select %lt3A_99, %while3A_56, %select_n3A_104 : vector<256x8xi1>, vector<256x8xi32>
      scf.yield %select_n3A_97, %select_n3A_105 : vector<256x8xf32>, vector<256x8xi32>
    }
    %while3A_41 = arith.constant 1 : i32
    %while3A_42:2 = scf.for %while3A_54 = %while3A_38 to %while3A_34 step %while3A_41 iter_args(%while3A_55 = %while3A_40#0, %while3A_56 = %while3A_40#1) -> (vector<256x8xf32>, vector<256x8xi32>)  : i32 {
      %get3A_57 = arith.constant 0 : index
      %get3A_58 = arith.constant 0 : index
      %get3A_59 = vector.load %arg11[%get3A_57, %get3A_58] : memref<256x2048xf32, #tpu.memory_space<vmem>>, vector<256x2048xf32>
      %reduce_max3A_60 = arith.constant dense<0xFF800000> : vector<256xf32>
      %reduce_max3A_61 = vector.multi_reduction <maximumf>, %get3A_59, %reduce_max3A_60 [1] : vector<256x2048xf32> to vector<256xf32>
      %broadcast_in_dim3A_62 = vector.shape_cast %reduce_max3A_61 : vector<256xf32> to vector<256x1xf32>
      %eq3A_63 = vector.broadcast %broadcast_in_dim3A_62 : vector<256x1xf32> to vector<256x2048xf32>
      %eq3A_64 = arith.cmpf oeq, %get3A_59, %eq3A_63 : vector<256x2048xf32>
      %jit3A_65 = arith.constant 1073741824 : i32
      %broadcast_in_dim3A_66 = vector.broadcast %jit3A_65 : i32 to vector<256x2048xi32>
      %select_n3A_67 = arith.select %eq3A_64, %iota3A, %broadcast_in_dim3A_66 : vector<256x2048xi1>, vector<256x2048xi32>
      %reduce_min3A = arith.constant dense<2147483647> : vector<256xi32>
      %reduce_min3A_68 = vector.multi_reduction <minsi>, %select_n3A_67, %reduce_min3A [1] : vector<256x2048xi32> to vector<256xi32>
      %broadcast_in_dim3A_69 = vector.shape_cast %reduce_min3A_68 : vector<256xi32> to vector<256x1xi32>
      %eq3A_70 = vector.broadcast %broadcast_in_dim3A_69 : vector<256x1xi32> to vector<256x2048xi32>
      %eq3A_71 = arith.cmpi eq, %iota3A, %eq3A_70 : vector<256x2048xi32>
      %jit3A_72 = arith.constant -3.000000e+38 : f32
      %broadcast_in_dim3A_73 = vector.broadcast %jit3A_72 : f32 to vector<256x2048xf32>
      %select_n3A_74 = arith.select %eq3A_71, %broadcast_in_dim3A_73, %get3A_59 : vector<256x2048xi1>, vector<256x2048xf32>
      %swap3A_75 = arith.constant 0 : index
      %swap3A_76 = arith.constant 0 : index
      %swap3A_77 = vector.load %arg11[%swap3A_75, %swap3A_76] : memref<256x2048xf32, #tpu.memory_space<vmem>>, vector<256x2048xf32>
      tpu.vector_store %arg11[%swap3A_75, %swap3A_76], %select_n3A_74 {strides = array<i32>} : memref<256x2048xf32, #tpu.memory_space<vmem>>, vector<256x2048xf32>,
      %add3A_78 = vector.broadcast %mul3A_2 : i32 to vector<256x1xi32>
      %add3A_79 = arith.addi %broadcast_in_dim3A_69, %add3A_78 : vector<256x1xi32>
      %ge3A = vector.broadcast %broadcast_in_dim3A_62 : vector<256x1xf32> to vector<256x8xf32>
      %ge3A_80 = arith.cmpf oge, %while3A_55, %ge3A : vector<256x8xf32>
      %convert_element_type3A_81 = arith.extui %ge3A_80 : vector<256x8xi1> to vector<256x8xi32>
      %reduce_sum3A_82 = arith.constant dense<0> : vector<256xi32>
      %reduce_sum3A_83 = vector.multi_reduction <add>, %convert_element_type3A_81, %reduce_sum3A_82 [1] : vector<256x8xi32> to vector<256xi32>
      %broadcast_in_dim3A_84 = vector.shape_cast %reduce_sum3A_83 : vector<256xi32> to vector<256x1xi32>
      %slice3A_85 = vector.extract_strided_slice %while3A_55 {offsets = [0, 0], sizes = [256, 1], strides = [1, 1]} : vector<256x8xf32> to vector<256x1xf32>
      %slice3A_86 = vector.extract_strided_slice %while3A_55 {offsets = [0, 0], sizes = [256, 7], strides = [1, 1]} : vector<256x8xf32> to vector<256x7xf32>
      %concatenate3A = tpu.concatenate %slice3A_85, %slice3A_86 in 1 : vector<256x1xf32>, vector<256x7xf32> -> vector<256x8xf32>
      %slice3A_87 = vector.extract_strided_slice %while3A_56 {offsets = [0, 0], sizes = [256, 1], strides = [1, 1]} : vector<256x8xi32> to vector<256x1xi32>
      %slice3A_88 = vector.extract_strided_slice %while3A_56 {offsets = [0, 0], sizes = [256, 7], strides = [1, 1]} : vector<256x8xi32> to vector<256x7xi32>
      %concatenate3A_89 = tpu.concatenate %slice3A_87, %slice3A_88 in 1 : vector<256x1xi32>, vector<256x7xi32> -> vector<256x8xi32>
      %lt3A_90 = vector.broadcast %broadcast_in_dim3A_84 : vector<256x1xi32> to vector<256x8xi32>
      %lt3A_91 = arith.cmpi slt, %iota3A_32, %lt3A_90 : vector<256x8xi32>
      %eq3A_92 = vector.broadcast %broadcast_in_dim3A_84 : vector<256x1xi32> to vector<256x8xi32>
      %eq3A_93 = arith.cmpi eq, %iota3A_32, %eq3A_92 : vector<256x8xi32>
      %broadcast_in_dim3A_94 = vector.shape_cast %broadcast_in_dim3A_62 : vector<256x1xf32> to vector<256x1xf32>
      %broadcast_in_dim3A_95 = vector.broadcast %broadcast_in_dim3A_94 : vector<256x1xf32> to vector<256x8xf32>
      %select_n3A_96 = arith.select %eq3A_93, %broadcast_in_dim3A_95, %concatenate3A : vector<256x8xi1>, vector<256x8xf32>
      %select_n3A_97 = arith.select %lt3A_91, %while3A_55, %select_n3A_96 : vector<256x8xi1>, vector<256x8xf32>
      %lt3A_98 = vector.broadcast %broadcast_in_dim3A_84 : vector<256x1xi32> to vector<256x8xi32>
      %lt3A_99 = arith.cmpi slt, %iota3A_32, %lt3A_98 : vector<256x8xi32>
      %eq3A_100 = vector.broadcast %broadcast_in_dim3A_84 : vector<256x1xi32> to vector<256x8xi32>
      %eq3A_101 = arith.cmpi eq, %iota3A_32, %eq3A_100 : vector<256x8xi32>
      %broadcast_in_dim3A_102 = vector.shape_cast %add3A_79 : vector<256x1xi32> to vector<256x1xi32>
      %broadcast_in_dim3A_103 = vector.broadcast %broadcast_in_dim3A_102 : vector<256x1xi32> to vector<256x8xi32>
      %select_n3A_104 = arith.select %eq3A_101, %broadcast_in_dim3A_103, %concatenate3A_89 : vector<256x8xi1>, vector<256x8xi32>
      %select_n3A_105 = arith.select %lt3A_99, %while3A_56, %select_n3A_104 : vector<256x8xi1>, vector<256x8xi32>
      scf.yield %select_n3A_97, %select_n3A_105 : vector<256x8xf32>, vector<256x8xi32>
    }
    %swap3A_43 = arith.constant 0 : index
    %swap3A_44 = arith.constant 0 : index
    %swap3A_45 = vector.load %arg9[%swap3A_43, %swap3A_44] : memref<256x8xf32, #tpu.memory_space<vmem>>, vector<256x8xf32>
    tpu.vector_store %arg9[%swap3A_43, %swap3A_44], %while3A_42#0 {strides = array<i32>} : memref<256x8xf32, #tpu.memory_space<vmem>>, vector<256x8xf32>,
    %swap3A_46 = arith.constant 0 : index
    %swap3A_47 = arith.constant 0 : index
    %swap3A_48 = vector.load %arg10[%swap3A_46, %swap3A_47] : memref<256x8xi32, #tpu.memory_space<vmem>>, vector<256x8xi32>
    tpu.vector_store %arg10[%swap3A_46, %swap3A_47], %while3A_42#1 {strides = array<i32>} : memref<256x8xi32, #tpu.memory_space<vmem>>, vector<256x8xi32>,
    %eq3A_49 = arith.constant 48 : i32
    %eq3A_50 = arith.cmpi eq, %arg1, %eq3A_49 : i32
    %convert_element_type3A_51 = arith.extui %eq3A_50 : i1 to i32
    %cond3A_52 = arith.constant 0 : i32
    %cond3A_53 = arith.cmpi ne, %convert_element_type3A_51, %cond3A_52 : i32
    scf.if %cond3A_53 {
      %get3A_54 = arith.constant 0 : index
      %get3A_55 = arith.constant 0 : index
      %get3A_56 = vector.load %arg9[%get3A_54, %get3A_55] : memref<256x8xf32, #tpu.memory_space<vmem>>, vector<256x8xf32>
      %slice3A_57 = vector.extract_strided_slice %get3A_56 {offsets = [0, 0], sizes = [256, 1], strides = [1, 1]} : vector<256x8xf32> to vector<256x1xf32>
      %sub3A = vector.broadcast %slice3A_57 : vector<256x1xf32> to vector<256x8xf32>
      %sub3A_58 = arith.subf %get3A_56, %sub3A : vector<256x8xf32>
      %exp3A = math.exp %sub3A_58 : vector<256x8xf32>
      %reduce_sum3A_59 = arith.constant dense<0.000000e+00> : vector<256xf32>
      %reduce_sum3A_60 = vector.multi_reduction <add>, %exp3A, %reduce_sum3A_59 [1] : vector<256x8xf32> to vector<256xf32>
      %broadcast_in_dim3A_61 = vector.shape_cast %reduce_sum3A_60 : vector<256xf32> to vector<256x1xf32>
      %div3A = vector.broadcast %broadcast_in_dim3A_61 : vector<256x1xf32> to vector<256x8xf32>
      %div3A_62 = arith.divf %exp3A, %div3A : vector<256x8xf32>
      %broadcast_in_dim3A_63 = vector.shape_cast %div3A_62 : vector<256x8xf32> to vector<256x8x1xf32>
      %broadcast_in_dim3A_64 = vector.broadcast %broadcast_in_dim3A_63 : vector<256x8x1xf32> to vector<256x8x16xf32>
      %reshape3A = vector.shape_cast %broadcast_in_dim3A_64 : vector<256x8x16xf32> to vector<256x128xf32>
      %swap3A_65 = arith.constant 0 : index
      %swap3A_66 = arith.constant 0 : index
      %swap3A_67 = vector.load %arg7[%swap3A_65, %swap3A_66] : memref<256x128xf32, #tpu.memory_space<vmem>>, vector<256x128xf32>
      tpu.vector_store %arg7[%swap3A_65, %swap3A_66], %reshape3A {strides = array<i32>} : memref<256x128xf32, #tpu.memory_space<vmem>>, vector<256x128xf32>,
      %get3A_68 = arith.constant 0 : index
      %get3A_69 = arith.constant 0 : index
      %get3A_70 = vector.load %arg10[%get3A_68, %get3A_69] : memref<256x8xi32, #tpu.memory_space<vmem>>, vector<256x8xi32>
      %swap3A_71 = arith.constant 0 : index
      %swap3A_72 = arith.constant 0 : index
      %swap3A_73 = vector.load %arg6[%swap3A_71, %swap3A_72] : memref<256x8xi32, #tpu.memory_space<vmem>>, vector<256x8xi32>
      tpu.vector_store %arg6[%swap3A_71, %swap3A_72], %get3A_70 {strides = array<i32>} : memref<256x8xi32, #tpu.memory_space<vmem>>, vector<256x8xi32>,
    } else {
    }
    return
  }
  func.func @transform_0(%arg0: i32, %arg1: i32) -> (i32, i32) {
    %c0_i32 = arith.constant 0 : i32
    %c0_i32_0 = arith.constant 0 : i32
    return %arg0, %c0_i32 : i32, i32
  }
  func.func @transform_1(%arg0: i32, %arg1: i32) -> (i32, i32) {
    %c0_i32 = arith.constant 0 : i32
    %c0_i32_0 = arith.constant 0 : i32
    %c0_i32_1 = arith.constant 0 : i32
    return %c0_i32, %c0_i32_0 : i32, i32
  }
  func.func @transform_2(%arg0: i32, %arg1: i32) -> (i32, i32) {
    %c0_i32 = arith.constant 0 : i32
    %c0_i32_0 = arith.constant 0 : i32
    %c0_i32_1 = arith.constant 0 : i32
    return %c0_i32, %c0_i32_0 : i32, i32
  }
  func.func @transform_3(%arg0: i32, %arg1: i32) -> (i32, i32) {
    %c0_i32 = arith.constant 0 : i32
    %c0_i32_0 = arith.constant 0 : i32
    return %arg1, %c0_i32 : i32, i32
  }
  func.func @transform_4(%arg0: i32, %arg1: i32) -> (i32, i32) {
    %c0_i32 = arith.constant 0 : i32
    %c0_i32_0 = arith.constant 0 : i32
    return %arg0, %c0_i32 : i32, i32
  }
  func.func @transform_5(%arg0: i32, %arg1: i32) -> (i32, i32) {
    %c0_i32 = arith.constant 0 : i32
    %c0_i32_0 = arith.constant 0 : i32
    return %arg0, %c0_i32 : i32, i32
  }
}

</mosaic_0001>

<sc_bundles>
// kernel: kernel.6.cloned.1.call-start
scs
__scs_entry_jumppad:
0x0: {  	(pc) =	sbr.rel $0x88, $3  }
0x1: {  	(tag) =	ssettag $0x0;
	lr =	simm.s32 $0x1  }
0x2: {  	[smem:$0x3F9C] =	sst lr;
	_ =	strace $0xD0000000  }
0x3: {  	_ = 	snop  }
0x4: {  	_ = 	snop  }
0x5: {  	_ = 	snop  }
0x6: {  	_ = 	snop  }
0x7: {  	_ = 	snop  }
__scs_overlays_trampoline_lowered:
0x8: {  	[smem:$0x3FAB] =	sst s0  }
0x9: {  	[smem:$0x3FAC] =	sst s1  }
0xa: {  	[smem:$0x3FAD] =	sst s2  }
0xb: {  	[smem:$0x3FAE] =	sst s3  }
0xc: {  	[smem:$0x3FAF] =	sst s4  }
0xd: {  	[smem:$0x3FB0] =	sst s5  }
0xe: {  	[smem:$0x3FB1] =	sst s6  }
0xf: {  	[smem:$0x3FB2] =	sst s7  }
0x10: {  	[smem:$0x3FB3] =	sst s8  }
0x11: {  	[smem:$0x3FB4] =	sst s9;
	s0 =	simm.s32 @!p0 $0x0  }
0x12: {  	s1 =	sld [smem:$0x3F9A];
	s0 =	simm.s32 @p0 $0x1  }
0x13: {  	[smem:$0x3FB5] =	sst s0;
	s0 =	simm.s32 @!p1 $0x0  }
0x14: {  	s2 =	sld [smem:$0x3F99];
	s0 =	simm.s32 @p1 $0x1  }
0x15: {  	[smem:$0x3FB6] =	sst s0;
	s0 =	simm.s32 @!p2 $0x0  }
0x16: {  	s3 =	sld [smem:$0x3FDB];
	s0 =	simm.s32 @p2 $0x1  }
0x17: {  	s4 =	simm.s32 $0x1BF5;
	[smem:$0x3FB8] =	sst s0  }
0x18: {  	s0 =	sld [smem:$0x3F9B];
	_ =	swait.ge [sflag:s4], $0x0  }
0x19: {  	s7 =	sld [smem:$0x3F9C]  }
0x1a: {  	s8 =	sadd.s32 $0xFFFFE003, lr  }
0x1b: {  	s9 =	sadd.s32 $0xFFFFFEF7, lr;
	s5 =	simm.s32 $0xFFFFFFFF;
	p2 =	slt.u32 s8, $0xFFFFF086  }
0x1c: {  	p1 =	slt.u32 s9, $0xF7A;
	s5 =	simm.s32 @!p2 $0x0  }
0x1d: {  	s5 =	simm.s32 @p1 $0x1;
	p0 =	seq.s32 s7, s2  }
0x1e: {  	s7 =	smul.u32 @!p0 $0xF7A, s2;
	p2 =	seq.s32 @!p0 s5, $0x0  }
0x1f: {  	s9 =	smul.u32 $0xF7A, s1;
	s8 =	simm.s32 @!p0 $0x1BF5;
	p2 =	por !p2, p0  }
0x20: {  	[sflag:s8] =	ssyncset.s32 @!p0 $0xFFFFF086;
	s6 =	sadd.s32 @!p0 s3, s7;
	s7 =	simm.s32 @!p0 $0x108  }
0x21: {  	s3 =	sadd.s32 s3, s9;
	s6 =	sadd.s32 @!p0 $0x88, s6;
	s7 =	simm.s32 @p2 $0x1082  }
0x22: {  	[simem:s7], [sflag:s8] =	dma.local @!p0 [hbm:s6], $0xF7A  }
0x23: {  	s9 =	sor.u32 $0xD0000000, s2;
	s6 =	simm.s32 $0x108;
	_ =	swait.ge @!p0 [sflag:s8], $0x0  }
0x24: {  	s3 =	sadd.s32 $0x88, s3;
	s6 =	simm.s32 @!p1 $0x1082;
	[sflag:s4] =	ssyncset.s32 $0xFFFFF086  }
0x25: {  	[simem:s6], [sflag:s4] =	dma.local [hbm:s3], $0xF7A  }
0x26: {  	[smem:$0x3F9C] =	sst s1;
	(tag) =	ssettag s2;
	_ =	strace s9  }
0x27: {  	s1 =	sld [smem:$0x3FAC]  }
0x28: {  	s2 =	sld [smem:$0x3FAD]  }
0x29: {  	s4 =	sld [smem:$0x3FAF]  }
0x2a: {  	p0 =	seq.s32 s5, $0x0;
	s5 =	sld [smem:$0x3FB0]  }
0x2b: {  	s6 =	sld [smem:$0x3FB1]  }
0x2c: {  	s7 =	sld [smem:$0x3FB2]  }
0x2d: {  	s3 =	simm.s32 $0x108;
	s8 =	sld [smem:$0x3FB3]  }
0x2e: {  	s3 =	simm.s32 @!p0 $0x1082;
	s9 =	sld [smem:$0x3FB4]  }
0x2f: {  	lr =	sadd.s32 s0, s3;
	s0 =	sld [smem:$0x3FAB]  }
0x30: {  	s3 =	sld [smem:$0x3FAE]  }
0x31: {  	[smem:$0x3FB7] =	sst s10  }
0x32: {  	s10 =	sld [smem:$0x3FB5];
	_ =	sdelay $0x3  }
0x33: {  	p0 =	seq.s32 s10, $0x1;
	s10 =	sld [smem:$0x3FB7];
	_ =	sdelay $0x3  }
0x34: {  	[smem:$0x3FB7] =	sst s10  }
0x35: {  	s10 =	sld [smem:$0x3FB6];
	_ =	sdelay $0x3  }
0x36: {  	p1 =	seq.s32 s10, $0x1;
	s10 =	sld [smem:$0x3FB7];
	_ =	sdelay $0x3  }
0x37: {  	[smem:$0x3FB7] =	sst s10  }
0x38: {  	s10 =	sld [smem:$0x3FB8]  }
0x39: {  	_ = 	snop;
	(pc) =	sbr.ind lr, $3  }
0x3a: {  	_ = 	snop  }
0x3b: {  	_ = 	snop  }
0x3c: {  	p2 =	seq.s32 s10, $0x1;
	s10 =	sld [smem:$0x3FB7]  }
0x3d: {  	_ =	shalt  }
0x3e: {  	_ =	shalt  }
0x3f: {  	_ =	shalt  }
0x40: {  	_ =	shalt  }
0x41: {  	_ =	shalt  }
0x42: {  	_ =	shalt  }
0x43: {  	_ =	shalt  }
0x44: {  	_ =	shalt  }
0x45: {  	_ =	shalt  }
0x46: {  	_ =	shalt  }
0x47: {  	_ =	shalt  }
0x48: {  	_ =	shalt  }
0x49: {  	_ =	shalt  }
0x4a: {  	_ =	shalt  }
0x4b: {  	_ =	shalt  }
0x4c: {  	_ =	shalt  }
0x4d: {  	_ =	shalt  }
0x4e: {  	_ =	shalt  }
0x4f: {  	_ =	shalt  }
0x50: {  	_ =	shalt  }
0x51: {  	_ =	shalt  }
0x52: {  	_ =	shalt  }
0x53: {  	_ =	shalt  }
0x54: {  	_ =	shalt  }
0x55: {  	_ =	shalt  }
0x56: {  	_ =	shalt  }
0x57: {  	_ =	shalt  }
0x58: {  	_ =	shalt  }
0x59: {  	_ =	shalt  }
0x5a: {  	_ =	shalt  }
0x5b: {  	_ =	shalt  }
0x5c: {  	_ =	shalt  }
0x5d: {  	_ =	shalt  }
0x5e: {  	_ =	shalt  }
0x5f: {  	_ =	shalt  }
0x60: {  	_ =	shalt  }
0x61: {  	_ =	shalt  }
0x62: {  	_ =	shalt  }
0x63: {  	_ =	shalt  }
0x64: {  	_ =	shalt  }
0x65: {  	_ =	shalt  }
0x66: {  	_ =	shalt  }
0x67: {  	_ =	shalt  }
0x68: {  	_ =	shalt  }
0x69: {  	_ =	shalt  }
0x6a: {  	_ =	shalt  }
0x6b: {  	_ =	shalt  }
0x6c: {  	_ =	shalt  }
0x6d: {  	_ =	shalt  }
0x6e: {  	_ =	shalt  }
0x6f: {  	_ =	shalt  }
0x70: {  	_ =	shalt  }
0x71: {  	_ =	shalt  }
0x72: {  	_ =	shalt  }
0x73: {  	_ =	shalt  }
0x74: {  	_ =	shalt  }
0x75: {  	_ =	shalt  }
0x76: {  	_ =	shalt  }
0x77: {  	_ =	shalt  }
0x78: {  	_ =	shalt  }
0x79: {  	_ =	shalt  }
0x7a: {  	_ =	shalt  }
0x7b: {  	_ =	shalt  }
0x7c: {  	_ =	shalt  }
0x7d: {  	_ =	shalt  }
0x7e: {  	_ =	shalt  }
0x7f: {  	_ =	shalt  }
0x80: {  	_ =	shalt  }
0x81: {  	_ =	shalt  }
0x82: {  	_ =	shalt  }
0x83: {  	_ =	shalt  }
0x84: {  	_ =	shalt  }
0x85: {  	_ =	shalt  }
0x86: {  	_ =	shalt  }
0x87: {  	_ =	shalt  }
.Lfunc_end0:
.L_simem_size_0:
called_computation_lowered:
.L_overlay_start_0:
0x88: {  	s2 =	sld [smem:$0x3FD9]  }
0x89: {  	s3 =	sld [smem:$0x3FFE];
	_ =	sdelay $0x1  }
0x8a: {  	s1 =	srdreg.scid  }
0x8b: {  	s0 =	sand.u32 $0x1, s1  }
0x8c: {  	s17 =	sshll.u32 s0, $0xA;
	s2 =	sadd.s32 s3, s2  }
0x8d: {  	s2 =	sadd.s32 s2, s17  }
0x8e: {  	[smem:$0x3FC3] =	sst s2  }
0x8f: {  	_ = 	snop  }
0x90: {  	s2 =	sld [smem:$0x3FC5];
	(tm) =	ssettm $0x1  }
0x91: {  	s18 =	sld [smem:$0x3FFB];
	_ =	sdelay $0x3  }
0x92: {  	_ =	strace s18  }
0x93: {  	s3 =	sld [smem:$0x3FFC];
	_ =	sdelay $0x3  }
0x94: {  	_ =	strace s3  }
0x95: {  	s3 =	sld [smem:$0x3FFD];
	_ =	sdelay $0x3  }
0x96: {  	_ =	strace s3  }
0x97: {  	_ =	strace $0x8FFFFFFF  }
0x98: {  	s19 =	sld [smem:$0x3FDB];
	_ =	sdelay $0x1  }
0x99: {  	s4 =	simm.s32 $_scs_section_size  }
0x9a: {  	s5 =	simm.s32 $_size__tile_overlayer_lowered;
	s6 =	simm.s32 $_tile_overlayer_lowered  }
0x9b: {  	s22 =	simm.s32 $0x1BFF;
	s21 =	sshll.u32 s6, $0x1;
	s3 =	sadd.s32 s4, s19  }
0x9c: {  	s7 =	simm.s32 $0x0;
	s20 =	sshll.u32 s5, $0x1;
	s5 =	sadd.s32 s21, s3  }
0x9d: {  	[timem:s7], [sflag:s22] =	dma.local [hbm:s5], s20  }
0x9e: {  	_ =	swait.ge [sflag:s22], s20  }
0x9f: {  	s4 =	ssub.s32 $0x0, s20;
	[sflag:s22] =	ssyncset.done $0x0  }
0xa0: {  	[sflag:s22] =	ssyncadd.s32 s4;
	_ =	sdelay $0x1  }
0xa1: {  	s23 =	simm.s32 $0x1B8B  }
0xa2: {  	_ =	swait.ge [sflag:s23], $0x1  }
0xa3: {  	[sflag:s23] =	ssyncset.done $0x0  }
0xa4: {  	s25 =	simm.s32 $0x1B8E;
	s24 =	sld [smem:$0x3FFE];
	[sflag:s23] =	ssyncadd.s32 $0xFFFFFFFF  }
0xa5: {  	s26 =	simm.s32 $execute0_lowered;
	[smem:$0x3FD2] =	sst s25  }
0xa6: {  	s5 =	sshll.u32 s26, $0x1;
	_ =	strace $0x80000046;
	[dreg:$0x1] =	wrdreg $0xFFFFFFFF  }
0xa7: {  	s28 =	simm.s32 $_size_execute0_lowered;
	s3 =	sadd.s32 s3, s5;
	[dreg:$0x0] =	wrdreg $0x0  }
0xa8: {  	s5 =	sshll.u32 s28, $0x1;
	[dreg:$0x2] =	wrdreg s3  }
0xa9: {  	[dreg:$0x3] =	wrdreg s5  }
0xaa: {  	[dreg:$0x4] =	wrdreg $0xC0  }
0xab: {  	_ =	task [dreg:s7], $0x5FFFF  }
0xac: {  	[dreg:$0x1] =	wrdreg $0xFFFFFFFF  }
0xad: {  	[dreg:$0x0] =	wrdreg $0x60  }
0xae: {  	[dreg:$0x2] =	wrdreg s2  }
0xaf: {  	[dreg:$0x3] =	wrdreg s24  }
0xb0: {  	[dreg:$0x4] =	wrdreg $0x9  }
0xb1: {  	_ =	task.clear_ibuf [dreg:s7], $0x5FFFF;
	_ =	strace $0x90000046  }
0xb2: {  	s29 =	simm.s32 $0x9;
	_ =	strace $0x80000048  }
0xb3: {  	_ =	swait.ge [sflag:s29], $0x1  }
0xb4: {  	[sflag:s29] =	ssyncadd.s32 $0xFFFFFFFF  }
0xb5: {  	_ =	strace $0x90000048  }
0xb6: {  	_ =	sfence  }
0xb7: {  	s30 =	sld [smem:$0x0];
	_ =	sdelay $0x2  }
0xb8: {  	s31 =	sshll.u32 s1, $0xD;
	s1 =	sshrl.u32 s1, $0x2  }
0xb9: {  	s3 =	sand.u32 $0x4000, s31;
	s1 =	sadd.s32 s1, s30  }
0xba: {  	s0 =	sor.u32 s3, s0;
	s1 =	sshll.u32 s1, $0x11  }
0xbb: {  	s0 =	sor.u32 s1, s0  }
0xbc: {  	s0 =	sadd.s32 $0x8F2B, s0  }
0xbd: {  	[sflag:s0] =	ssyncadd.remote.s32 $0x1  }
0xbe: {  	_ =	sfence.sel $0xFFFF  }
0xbf: {  	[dreg:$0x0] =	wrdreg $0xFFFFFFFF;
	(pc) =	sbr.abs _section_cstart, $3  }
0xc0: {  	[dreg:$0x1] =	wrdreg $0xFFFFFFFF  }
0xc1: {  	_ =	task.clear_ibuf [dreg:s7], $0x2FFFF;
	_ =	strace $0x9FFFFFFF  }
0xc2: {  	(tm) =	ssettm $0x7FFFFFFF  }
0xc3: {  	_ =	shalt  }
tec
execute0_lowered:
.L_overlay_start_1:
0x0: {  	(tag) =	ssettag $0x1  }
0x1: {  	s1 =	rddreg [dreg:$0x0]  }
0x2: {  	s0 =	rddreg [dreg:$0x1];
	s2 =	simm.s32 $0x0;
	s26 =	srdreg.scid  }
0x3: {  	s7 =	stileid.u32;
	s11 =	simm.s32 $0x2;
	s30 =	simm.s32 $0x14080  }
0x4: {  	s31 =	simm.s32 $0x14880;
	s10 =	simm.s32 $0x16080;
	s12 =	simm.s32 $0x17080  }
0x5: {  	s13 =	simm.s32 $0x17880;
	s14 =	simm.s32 $0x1;
	s15 =	simm.s32 $0x18080  }
0x6: {  	s16 =	simm.s32 $0x1C080;
	s18 =	simm.s32 $0x0;
	[smem:$0x7FF] =	sst s2  }
0x7: {  	s2 =	sand.u32 $0x1, s26;
	s4 =	sadd.s32 $0x18B000, s0;
	s5 =	sadd.s32 $0x18B400, s0  }
0x8: {  	s6 =	sadd.s32 $0x1AB400, s0;
	s29 =	sshll.u32 s7, $0x6;
	s3 =	ssub.s32 $0x2, s2  }
0x9: {  	s8 =	sadd.s32 $0x100, s1;
	s9 =	sadd.s32 $0x200, s1;
	s28 =	sshrl.u32 s3, $0x1  }
0xa: {  	v2 =	vlaneseq.u32;
	_ =	strace $0x80000047;
	s2 =	sshll.u32 s2, $0x5;
	s0 =	ssub.s32 s3, s28  }
0xb: {  	vm0 =	vmmov $0xffff;
	v1 =	vshrl.u32 v2, $0x3;
	s7 =	sor.u32 s2, s29;
	s2 =	simm.s32 $0x16880;
	s0 =	smax.u32 s0, $0x1  }
0xc: {  	v0 =	vand.u32 $0x7, v2;
	v2 =	vor.u32 $0x8, v2;
	v1 =	vmul.u32 $0x8, v1;
	s3 =	simm.s32 $0x15880;
	[dreg:$0x3] =	wrdreg s0;
	s0 =	simm.s32 $0x15080  }
.LBB2_1:
0xd: {  	[dreg:$0x4] =	wrdreg s18;
	p0 =	por $0x1, $0x1;
	s17 =	simm.s32 $0x0  }
.LBB2_2:
0xe: {  	s17 =	sor.u32 s7, s17  }
0xf: {  	s18 =	simm.s32 $0x0;
	s19 =	sadd.s32 s4, s17  }
0x10: {  	[tilespmem:s18], [sflag:$0x2] =	stream.linear.gather [hbm4b:s19+s18], $0x80, $0x38;
	[tilespmem:$0x1F080] =	vst v63  }
0x11: {  	_ =	swait.ge [sflag:s11], $0x80  }
0x12: {  	[sflag:s11] =	ssyncset.done $0x0  }
0x13: {  	[sflag:s11] =	ssyncadd.s32 $0xFFFFFF80  }
0x14: {  	v3 =	vld [tilespmem:$0x0];
	_ =	sdelay $0x4  }
0x15: {  	v4 =	vshrl.u32 v3, $0x3  }
0x16: {  	v4 =	vmul.u32 $0x30, v4  }
0x17: {  	v3 =	vand.u32 $0x7, v3  }
0x18: {  	v3 =	vor.u32 v3, v4  }
0x19: {  	v4 =	vperm.xlane v3, v0;
	_ =	sdelay $0x1  }
0x1a: {  	v4 =	vadd.s32 v1, v4;
	_ =	sdelay $0x3  }
0x1b: {  	s24 =	simm.s32 $0x80;
	v3 =	vperm.xlane v3, v2  }
0x1c: {  	[tilespmem:s24], [sflag:$0x1] =	stream.indirect_vreg.gather [hbm4b:s1+s18], $0x80, v4, vm0, $0xb8;
	[tilespmem:$0x1F080] =	vst v63  }
0x1d: {  	s25 =	simm.s32 $0x880;
	v3 =	vadd.s32 v1, v3  }
0x1e: {  	[tilespmem:s25], [sflag:$0x1] =	stream.indirect_vreg.gather [hbm4b:s8+s18], $0x80, v4, vm0, $0xb8;
	[tilespmem:$0x1F080] =	vst v63  }
0x1f: {  	s26 =	simm.s32 $0x1080  }
0x20: {  	[tilespmem:s26], [sflag:$0x1] =	stream.indirect_vreg.gather [hbm4b:s9+s18], $0x80, v4, vm0, $0xb8;
	[tilespmem:$0x1F080] =	vst v63  }
0x21: {  	s28 =	simm.s32 $0x1880  }
0x22: {  	[tilespmem:s28], [sflag:$0x1] =	stream.indirect_vreg.gather [hbm4b:s1+s18], $0x80, v3, vm0, $0xb8;
	[tilespmem:$0x1F080] =	vst v63  }
0x23: {  	s29 =	simm.s32 $0x2080  }
0x24: {  	[tilespmem:s29], [sflag:$0x1] =	stream.indirect_vreg.gather [hbm4b:s8+s18], $0x80, v3, vm0, $0xb8;
	[tilespmem:$0x1F080] =	vst v63  }
0x25: {  	s20 =	simm.s32 $0x2880  }
0x26: {  	[tilespmem:s20], [sflag:$0x1] =	stream.indirect_vreg.gather [hbm4b:s9+s18], $0x80, v3, vm0, $0xb8;
	[tilespmem:$0x1F080] =	vst v63  }
0x27: {  	v3 =	vld [tilespmem:$0x10];
	_ =	sdelay $0x4  }
0x28: {  	v57 =	vshrl.u32 v3, $0x3  }
0x29: {  	v4 =	vmul.u32 $0x30, v57  }
0x2a: {  	v3 =	vand.u32 $0x7, v3  }
0x2b: {  	v3 =	vor.u32 v3, v4  }
0x2c: {  	v4 =	vperm.xlane v3, v0;
	_ =	sdelay $0x1  }
0x2d: {  	v4 =	vadd.s32 v1, v4;
	_ =	sdelay $0x3  }
0x2e: {  	s21 =	simm.s32 $0x3080;
	v3 =	vperm.xlane v3, v2  }
0x2f: {  	[tilespmem:s21], [sflag:$0x1] =	stream.indirect_vreg.gather [hbm4b:s1+s18], $0x80, v4, vm0, $0xb8;
	[tilespmem:$0x1F080] =	vst v63  }
0x30: {  	s22 =	simm.s32 $0x3880;
	v3 =	vadd.s32 v1, v3  }
0x31: {  	[tilespmem:s22], [sflag:$0x1] =	stream.indirect_vreg.gather [hbm4b:s8+s18], $0x80, v4, vm0, $0xb8;
	[tilespmem:$0x1F080] =	vst v63  }
0x32: {  	s23 =	simm.s32 $0x4080  }
0x33: {  	[tilespmem:s23], [sflag:$0x1] =	stream.indirect_vreg.gather [hbm4b:s9+s18], $0x80, v4, vm0, $0xb8;
	[tilespmem:$0x1F080] =	vst v63  }
0x34: {  	s24 =	simm.s32 $0x4880  }
0x35: {  	[tilespmem:s24], [sflag:$0x1] =	stream.indirect_vreg.gather [hbm4b:s1+s18], $0x80, v3, vm0, $0xb8;
	[tilespmem:$0x1F080] =	vst v63  }
0x36: {  	s25 =	simm.s32 $0x5080  }
0x37: {  	[tilespmem:s25], [sflag:$0x1] =	stream.indirect_vreg.gather [hbm4b:s8+s18], $0x80, v3, vm0, $0xb8;
	[tilespmem:$0x1F080] =	vst v63  }
0x38: {  	s26 =	simm.s32 $0x5880  }
0x39: {  	[tilespmem:s26], [sflag:$0x1] =	stream.indirect_vreg.gather [hbm4b:s9+s18], $0x80, v3, vm0, $0xb8;
	[tilespmem:$0x1F080] =	vst v63  }
0x3a: {  	v3 =	vld [tilespmem:$0x20];
	_ =	sdelay $0x4  }
0x3b: {  	v58 =	vshrl.u32 v3, $0x3  }
0x3c: {  	v4 =	vmul.u32 $0x30, v58  }
0x3d: {  	v3 =	vand.u32 $0x7, v3  }
0x3e: {  	v3 =	vor.u32 v3, v4  }
0x3f: {  	v4 =	vperm.xlane v3, v0;
	_ =	sdelay $0x1  }
0x40: {  	v4 =	vadd.s32 v1, v4;
	_ =	sdelay $0x3  }
0x41: {  	s28 =	simm.s32 $0x6080;
	v3 =	vperm.xlane v3, v2  }
0x42: {  	[tilespmem:s28], [sflag:$0x1] =	stream.indirect_vreg.gather [hbm4b:s1+s18], $0x80, v4, vm0, $0xb8;
	[tilespmem:$0x1F080] =	vst v63  }
0x43: {  	s29 =	simm.s32 $0x6880;
	v3 =	vadd.s32 v1, v3  }
0x44: {  	[tilespmem:s29], [sflag:$0x1] =	stream.indirect_vreg.gather [hbm4b:s8+s18], $0x80, v4, vm0, $0xb8;
	[tilespmem:$0x1F080] =	vst v63  }
0x45: {  	s20 =	simm.s32 $0x7080  }
0x46: {  	[tilespmem:s20], [sflag:$0x1] =	stream.indirect_vreg.gather [hbm4b:s9+s18], $0x80, v4, vm0, $0xb8;
	[tilespmem:$0x1F080] =	vst v63  }
0x47: {  	s21 =	simm.s32 $0x7880  }
0x48: {  	[tilespmem:s21], [sflag:$0x1] =	stream.indirect_vreg.gather [hbm4b:s1+s18], $0x80, v3, vm0, $0xb8;
	[tilespmem:$0x1F080] =	vst v63  }
0x49: {  	s22 =	simm.s32 $0x8080  }
0x4a: {  	[tilespmem:s22], [sflag:$0x1] =	stream.indirect_vreg.gather [hbm4b:s8+s18], $0x80, v3, vm0, $0xb8;
	[tilespmem:$0x1F080] =	vst v63  }
0x4b: {  	s23 =	simm.s32 $0x8880  }
0x4c: {  	[tilespmem:s23], [sflag:$0x1] =	stream.indirect_vreg.gather [hbm4b:s9+s18], $0x80, v3, vm0, $0xb8;
	[tilespmem:$0x1F080] =	vst v63  }
0x4d: {  	v3 =	vld [tilespmem:$0x30];
	_ =	sdelay $0x4  }
0x4e: {  	v59 =	vshrl.u32 v3, $0x3  }
0x4f: {  	v4 =	vmul.u32 $0x30, v59  }
0x50: {  	v3 =	vand.u32 $0x7, v3  }
0x51: {  	v3 =	vor.u32 v3, v4  }
0x52: {  	v4 =	vperm.xlane v3, v0;
	_ =	sdelay $0x1  }
0x53: {  	v4 =	vadd.s32 v1, v4;
	_ =	sdelay $0x3  }
0x54: {  	s24 =	simm.s32 $0x9080;
	v3 =	vperm.xlane v3, v2  }
0x55: {  	[tilespmem:s24], [sflag:$0x1] =	stream.indirect_vreg.gather [hbm4b:s1+s18], $0x80, v4, vm0, $0xb8;
	[tilespmem:$0x1F080] =	vst v63  }
0x56: {  	s25 =	simm.s32 $0x9880;
	v3 =	vadd.s32 v1, v3  }
0x57: {  	[tilespmem:s25], [sflag:$0x1] =	stream.indirect_vreg.gather [hbm4b:s8+s18], $0x80, v4, vm0, $0xb8;
	[tilespmem:$0x1F080] =	vst v63  }
0x58: {  	s26 =	simm.s32 $0xA080  }
0x59: {  	[tilespmem:s26], [sflag:$0x1] =	stream.indirect_vreg.gather [hbm4b:s9+s18], $0x80, v4, vm0, $0xb8;
	[tilespmem:$0x1F080] =	vst v63  }
0x5a: {  	s28 =	simm.s32 $0xA880  }
0x5b: {  	[tilespmem:s28], [sflag:$0x1] =	stream.indirect_vreg.gather [hbm4b:s1+s18], $0x80, v3, vm0, $0xb8;
	[tilespmem:$0x1F080] =	vst v63  }
0x5c: {  	s29 =	simm.s32 $0xB080  }
0x5d: {  	[tilespmem:s29], [sflag:$0x1] =	stream.indirect_vreg.gather [hbm4b:s8+s18], $0x80, v3, vm0, $0xb8;
	[tilespmem:$0x1F080] =	vst v63  }
0x5e: {  	s20 =	simm.s32 $0xB880  }
0x5f: {  	[tilespmem:s20], [sflag:$0x1] =	stream.indirect_vreg.gather [hbm4b:s9+s18], $0x80, v3, vm0, $0xb8;
	[tilespmem:$0x1F080] =	vst v63  }
0x60: {  	v3 =	vld [tilespmem:$0x40];
	_ =	sdelay $0x4  }
0x61: {  	v60 =	vshrl.u32 v3, $0x3  }
0x62: {  	v4 =	vmul.u32 $0x30, v60  }
0x63: {  	v3 =	vand.u32 $0x7, v3  }
0x64: {  	v3 =	vor.u32 v3, v4  }
0x65: {  	v4 =	vperm.xlane v3, v0;
	_ =	sdelay $0x1  }
0x66: {  	v4 =	vadd.s32 v1, v4;
	_ =	sdelay $0x3  }
0x67: {  	s21 =	simm.s32 $0xC080;
	v3 =	vperm.xlane v3, v2  }
0x68: {  	[tilespmem:s21], [sflag:$0x1] =	stream.indirect_vreg.gather [hbm4b:s1+s18], $0x80, v4, vm0, $0xb8;
	[tilespmem:$0x1F080] =	vst v63  }
0x69: {  	s22 =	simm.s32 $0xC880;
	v3 =	vadd.s32 v1, v3  }
0x6a: {  	[tilespmem:s22], [sflag:$0x1] =	stream.indirect_vreg.gather [hbm4b:s8+s18], $0x80, v4, vm0, $0xb8;
	[tilespmem:$0x1F080] =	vst v63  }
0x6b: {  	s23 =	simm.s32 $0xD080  }
0x6c: {  	[tilespmem:s23], [sflag:$0x1] =	stream.indirect_vreg.gather [hbm4b:s9+s18], $0x80, v4, vm0, $0xb8;
	[tilespmem:$0x1F080] =	vst v63  }
0x6d: {  	s24 =	simm.s32 $0xD880  }
0x6e: {  	[tilespmem:s24], [sflag:$0x1] =	stream.indirect_vreg.gather [hbm4b:s1+s18], $0x80, v3, vm0, $0xb8;
	[tilespmem:$0x1F080] =	vst v63  }
0x6f: {  	s25 =	simm.s32 $0xE080  }
0x70: {  	[tilespmem:s25], [sflag:$0x1] =	stream.indirect_vreg.gather [hbm4b:s8+s18], $0x80, v3, vm0, $0xb8;
	[tilespmem:$0x1F080] =	vst v63  }
0x71: {  	s26 =	simm.s32 $0xE880  }
0x72: {  	[tilespmem:s26], [sflag:$0x1] =	stream.indirect_vreg.gather [hbm4b:s9+s18], $0x80, v3, vm0, $0xb8;
	[tilespmem:$0x1F080] =	vst v63  }
0x73: {  	v3 =	vld [tilespmem:$0x50];
	_ =	sdelay $0x4  }
0x74: {  	v61 =	vshrl.u32 v3, $0x3  }
0x75: {  	v4 =	vmul.u32 $0x30, v61  }
0x76: {  	v3 =	vand.u32 $0x7, v3  }
0x77: {  	v3 =	vor.u32 v3, v4  }
0x78: {  	v4 =	vperm.xlane v3, v0;
	_ =	sdelay $0x1  }
0x79: {  	v4 =	vadd.s32 v1, v4;
	_ =	sdelay $0x3  }
0x7a: {  	s28 =	simm.s32 $0xF080;
	v3 =	vperm.xlane v3, v2  }
0x7b: {  	[tilespmem:s28], [sflag:$0x1] =	stream.indirect_vreg.gather [hbm4b:s1+s18], $0x80, v4, vm0, $0xb8;
	[tilespmem:$0x1F080] =	vst v63  }
0x7c: {  	s29 =	simm.s32 $0xF880;
	v3 =	vadd.s32 v1, v3  }
0x7d: {  	[tilespmem:s29], [sflag:$0x1] =	stream.indirect_vreg.gather [hbm4b:s8+s18], $0x80, v4, vm0, $0xb8;
	[tilespmem:$0x1F080] =	vst v63  }
0x7e: {  	s20 =	simm.s32 $0x10080  }
0x7f: {  	[tilespmem:s20], [sflag:$0x1] =	stream.indirect_vreg.gather [hbm4b:s9+s18], $0x80, v4, vm0, $0xb8;
	[tilespmem:$0x1F080] =	vst v63  }
0x80: {  	s21 =	simm.s32 $0x10880  }
0x81: {  	[tilespmem:s21], [sflag:$0x1] =	stream.indirect_vreg.gather [hbm4b:s1+s18], $0x80, v3, vm0, $0xb8;
	[tilespmem:$0x1F080] =	vst v63  }
0x82: {  	s22 =	simm.s32 $0x11080  }
0x83: {  	[tilespmem:s22], [sflag:$0x1] =	stream.indirect_vreg.gather [hbm4b:s8+s18], $0x80, v3, vm0, $0xb8;
	[tilespmem:$0x1F080] =	vst v63  }
0x84: {  	s23 =	simm.s32 $0x11880  }
0x85: {  	[tilespmem:s23], [sflag:$0x1] =	stream.indirect_vreg.gather [hbm4b:s9+s18], $0x80, v3, vm0, $0xb8;
	[tilespmem:$0x1F080] =	vst v63  }
0x86: {  	v3 =	vld [tilespmem:$0x60];
	_ =	sdelay $0x4  }
0x87: {  	v62 =	vshrl.u32 v3, $0x3  }
0x88: {  	v4 =	vmul.u32 $0x30, v62  }
0x89: {  	v3 =	vand.u32 $0x7, v3  }
0x8a: {  	v3 =	vor.u32 v3, v4  }
0x8b: {  	v4 =	vperm.xlane v3, v0;
	_ =	sdelay $0x1  }
0x8c: {  	v4 =	vadd.s32 v1, v4;
	_ =	sdelay $0x3  }
0x8d: {  	s24 =	simm.s32 $0x12080;
	v3 =	vperm.xlane v3, v2  }
0x8e: {  	[tilespmem:s24], [sflag:$0x1] =	stream.indirect_vreg.gather [hbm4b:s1+s18], $0x80, v4, vm0, $0xb8;
	[tilespmem:$0x1F080] =	vst v63  }
0x8f: {  	s25 =	simm.s32 $0x12880;
	v3 =	vadd.s32 v1, v3  }
0x90: {  	[tilespmem:s25], [sflag:$0x1] =	stream.indirect_vreg.gather [hbm4b:s8+s18], $0x80, v4, vm0, $0xb8;
	[tilespmem:$0x1F080] =	vst v63  }
0x91: {  	s26 =	simm.s32 $0x13080  }
0x92: {  	[tilespmem:s26], [sflag:$0x1] =	stream.indirect_vreg.gather [hbm4b:s9+s18], $0x80, v4, vm0, $0xb8;
	[tilespmem:$0x1F080] =	vst v63  }
0x93: {  	s28 =	simm.s32 $0x13880  }
0x94: {  	[tilespmem:s28], [sflag:$0x1] =	stream.indirect_vreg.gather [hbm4b:s1+s18], $0x80, v3, vm0, $0xb8;
	[tilespmem:$0x1F080] =	vst v63  }
0x95: {  	_ = 	snop  }
0x96: {  	[tilespmem:s30], [sflag:$0x1] =	stream.indirect_vreg.gather [hbm4b:s8+s18], $0x80, v3, vm0, $0xb8;
	[tilespmem:$0x1F080] =	vst v63  }
0x97: {  	_ = 	snop  }
0x98: {  	[tilespmem:s31], [sflag:$0x1] =	stream.indirect_vreg.gather [hbm4b:s9+s18], $0x80, v3, vm0, $0xb8;
	[tilespmem:$0x1F080] =	vst v63  }
0x99: {  	v3 =	vld [tilespmem:$0x70];
	_ =	sdelay $0x4  }
0x9a: {  	v63 =	vshrl.u32 v3, $0x3  }
0x9b: {  	v4 =	vmul.u32 $0x30, v63  }
0x9c: {  	v3 =	vand.u32 $0x7, v3  }
0x9d: {  	v3 =	vor.u32 v3, v4  }
0x9e: {  	v4 =	vperm.xlane v3, v0;
	_ =	sdelay $0x1  }
0x9f: {  	v4 =	vadd.s32 v1, v4;
	_ =	sdelay $0x3  }
0xa0: {  	v3 =	vperm.xlane v3, v2  }
0xa1: {  	[tilespmem:s0], [sflag:$0x1] =	stream.indirect_vreg.gather [hbm4b:s1+s18], $0x80, v4, vm0, $0xb8;
	[tilespmem:$0x1F080] =	vst v63  }
0xa2: {  	v3 =	vadd.s32 v1, v3  }
0xa3: {  	[tilespmem:s3], [sflag:$0x1] =	stream.indirect_vreg.gather [hbm4b:s8+s18], $0x80, v4, vm0, $0xb8;
	[tilespmem:$0x1F080] =	vst v63  }
0xa4: {  	_ = 	snop  }
0xa5: {  	[tilespmem:s10], [sflag:$0x1] =	stream.indirect_vreg.gather [hbm4b:s9+s18], $0x80, v4, vm0, $0xb8;
	[tilespmem:$0x1F080] =	vst v63  }
0xa6: {  	_ = 	snop  }
0xa7: {  	[tilespmem:s2], [sflag:$0x1] =	stream.indirect_vreg.gather [hbm4b:s1+s18], $0x80, v3, vm0, $0xb8;
	[tilespmem:$0x1F080] =	vst v63  }
0xa8: {  	_ = 	snop  }
0xa9: {  	[tilespmem:s12], [sflag:$0x1] =	stream.indirect_vreg.gather [hbm4b:s8+s18], $0x80, v3, vm0, $0xb8;
	[tilespmem:$0x1F080] =	vst v63  }
0xaa: {  	_ = 	snop  }
0xab: {  	[tilespmem:s13], [sflag:$0x1] =	stream.indirect_vreg.gather [hbm4b:s9+s18], $0x80, v3, vm0, $0xb8;
	[tilespmem:$0x1F080] =	vst v63  }
0xac: {  	_ =	swait.ge [sflag:s14], $0x18000  }
0xad: {  	s29 =	sshll.u32 s17, $0x7;
	[sflag:s14] =	ssyncset.done $0x0  }
0xae: {  	s19 =	sadd.s32 s5, s29;
	[sflag:s14] =	ssyncadd.s32 $0xFFFE8000  }
0xaf: {  	[tilespmem:s15], [sflag:$0x2] =	stream.linear.gather [hbm4b:s19+s18], $0x4000, $0x38;
	[tilespmem:$0x1F080] =	vst v63  }
0xb0: {  	_ =	swait.ge [sflag:s11], $0x4000  }
0xb1: {  	[sflag:s11] =	ssyncset.done $0x0  }
0xb2: {  	p1 =	por p0, p0;
	s19 =	simm.s32 $0x0;
	[sflag:s11] =	ssyncadd.s32 $0xFFFFC000  }
.LBB2_3:
0xb3: {  	s20 =	smul.u32 $0x6000, s19;
	s21 =	sshrl.u32 s19, $0x3;
	s29 =	sshll.u32 s19, $0x7  }
0xb4: {  	s22 =	sshll.u32 s19, $0xA;
	s26 =	simm.s32 $0x0;
	s21 =	smul.u32 $0x6000, s21  }
0xb5: {  	s23 =	sand.u32 $0x3FFFFC00, s22;
	s22 =	sand.u32 $0x1C00, s18;
	s20 =	sshra.s32 s20, $0x2  }
0xb6: {  	s24 =	sor.u32 $0x80, s20;
	s20 =	sand.u32 $0x380, s29;
	s21 =	sshra.s32 s21, $0x2  }
0xb7: {  	s20 =	sor.u32 s20, s21;
	s21 =	sand.u32 $0x70, s18;
	s25 =	sadd.s32 s22, s24  }
0xb8: {  	v3 =	vld [tilespmem:s23+$0x18080];
	s20 =	sadd.s32 $0x1C080, s20;
	s28 =	sadd.s32 s21, s25;
	s25 =	simm.s32 $0x10  }
.LBB2_4:
0xb9: {  	p0 =	sne.s32 s25, $0x2F0;
	v4 =	vld [tilespmem:s28+$0x0]  }
0xba: {  	v5 =	vld [tilespmem:s28+$0x80]  }
0xbb: {  	v6 =	vld [tilespmem:s23+$0x18100]  }
0xbc: {  	v7 =	vld [tilespmem:s28+$0x100]  }
0xbd: {  	v8 =	vld [tilespmem:s23+$0x18180]  }
0xbe: {  	v9 =	vld [tilespmem:s28+$0x180]  }
0xbf: {  	v10 =	vld [tilespmem:s23+$0x18200]  }
0xc0: {  	v3 =	vmul.f32 v3, v4;
	v4 =	vmul.f32 v6, v5;
	v5 =	vld [tilespmem:s28+$0x200]  }
0xc1: {  	v6 =	vld [tilespmem:s23+$0x18280]  }
0xc2: {  	v3 =	vadd.f32 v4, v3;
	v4 =	vmul.f32 v8, v7;
	v7 =	vld [tilespmem:s28+$0x280]  }
0xc3: {  	v8 =	vld [tilespmem:s23+$0x18300]  }
0xc4: {  	v3 =	vadd.f32 v4, v3;
	v4 =	vmul.f32 v10, v9;
	v9 =	vld [tilespmem:s28+$0x300]  }
0xc5: {  	v10 =	vld [tilespmem:s23+$0x18380]  }
0xc6: {  	v3 =	vadd.f32 v4, v3;
	v4 =	vmul.f32 v6, v5;
	v5 =	vld [tilespmem:s28+$0x380]  }
0xc7: {  	v6 =	vld [tilespmem:s23+$0x18400]  }
0xc8: {  	v3 =	vadd.f32 v4, v3;
	v4 =	vmul.f32 v8, v7;
	_ =	sdelay $0x1  }
0xc9: {  	v3 =	vadd.f32 v4, v3;
	v4 =	vmul.f32 v10, v9;
	_ =	sdelay $0x1  }
0xca: {  	v3 =	vadd.f32 v4, v3;
	v4 =	vmul.f32 v6, v5  }
.Ltmp0:
0xcb: {  	(pc) =	sbr.rel @p0 .LBB2_4-.Ltmp0, $4  }
0xcc: {  	s26 =	sadd.s32 $0x80, s26;
	s28 =	sadd.s32 s22, s20;
	v3 =	vadd.f32 v4, v3  }
0xcd: {  	s22 =	sand.u32 $0x1C00, s26;
	s28 =	sadd.s32 s21, s28  }
0xce: {  	s21 =	sand.u32 $0x70, s25;
	s29 =	sadd.s32 s22, s24;
	[tilespmem:s28+$0x0] =	vst v3  }
0xcf: {  	s25 =	sadd.s32 $0x10, s25;
	s28 =	sadd.s32 s21, s29;
	v3 =	vld [tilespmem:s23+$0x18080]  }
0xd0: {  	v4 =	vld [tilespmem:s28+$0x0]  }
0xd1: {  	v5 =	vld [tilespmem:s28+$0x80]  }
0xd2: {  	v6 =	vld [tilespmem:s23+$0x18100]  }
0xd3: {  	v7 =	vld [tilespmem:s28+$0x100]  }
0xd4: {  	v8 =	vld [tilespmem:s23+$0x18180]  }
0xd5: {  	v9 =	vld [tilespmem:s28+$0x180]  }
0xd6: {  	v10 =	vld [tilespmem:s23+$0x18200]  }
0xd7: {  	v50 =	vld [tilespmem:s28+$0x200];
	v3 =	vmul.f32 v3, v4;
	v49 =	vmul.f32 v6, v5  }
0xd8: {  	v51 =	vld [tilespmem:s23+$0x18280]  }
0xd9: {  	v53 =	vld [tilespmem:s28+$0x280];
	v52 =	vmul.f32 v8, v7;
	v3 =	vadd.f32 v49, v3  }
0xda: {  	v54 =	vld [tilespmem:s23+$0x18300]  }
0xdb: {  	v56 =	vld [tilespmem:s28+$0x300];
	v55 =	vmul.f32 v10, v9;
	v3 =	vadd.f32 v52, v3  }
0xdc: {  	v57 =	vld [tilespmem:s23+$0x18380]  }
0xdd: {  	v59 =	vld [tilespmem:s28+$0x380];
	v58 =	vmul.f32 v51, v50;
	v3 =	vadd.f32 v55, v3  }
0xde: {  	v60 =	vld [tilespmem:s23+$0x18400]  }
0xdf: {  	v61 =	vmul.f32 v54, v53;
	v3 =	vadd.f32 v58, v3;
	_ =	sdelay $0x1  }
0xe0: {  	s19 =	sadd.s32 $0x1, s19;
	v62 =	vmul.f32 v57, v56;
	v3 =	vadd.f32 v61, v3  }
0xe1: {  	p0 =	sne.s32 s19, $0x10  }
.Ltmp1:
0xe2: {  	v63 =	vmul.f32 v60, v59;
	v3 =	vadd.f32 v62, v3;
	(pc) =	sbr.rel @p0 .LBB2_3-.Ltmp1, $4  }
0xe3: {  	_ = 	snop  }
0xe4: {  	s20 =	sadd.s32 s22, s20;
	v3 =	vadd.f32 v63, v3  }
0xe5: {  	s20 =	sadd.s32 s21, s20  }
0xe6: {  	[tilespmem:s20+$0x0] =	vst v3  }
0xe7: {  	s17 =	sshrl.u32 s17, $0x3  }
0xe8: {  	s17 =	smul.u32 $0x300, s17;
	_ =	sdelay $0x1  }
.Ltmp2:
0xe9: {  	s18 =	simm.s32 $0x0;
	s17 =	sadd.s32 s6, s17;
	(pc) =	sbr.rel @p1 .LBB2_2-.Ltmp2, $4  }
0xea: {  	[hbm4b:s17+s18] =	stream.linear.scatter [tilespmem:s16], [sflag:$0x2], $0x3000, $0x38;
	[tilespmem:$0x1F080] =	vst v63  }
0xeb: {  	_ =	swait.ge [sflag:s11], $0x3000  }
0xec: {  	[sflag:s11] =	ssyncset.done $0x0  }
0xed: {  	p0 =	por $0x0, $0x0;
	s17 =	simm.s32 $0x10;
	[sflag:s11] =	ssyncadd.s32 $0xFFFFD000  }
0xee: {  	s18 =	rddreg [dreg:$0x4]  }
0xef: {  	s17 =	rddreg [dreg:$0x3];
	s18 =	sadd.s32 $0x1, s18  }
0xf0: {  	p0 =	sne.s32 s18, s17  }
.Ltmp3:
0xf1: {  	_ = 	snop;
	(pc) =	sbr.rel @p0 .LBB2_1-.Ltmp3, $1  }
0xf2: {  	_ =	sdelay $0x3  }
0xf3: {  	_ =	sfence.sel $0x180000  }
0xf4: {  	[bflag:$0x0] =	sbarrier.arrive $0xFFFF  }
0xf5: {  	_ =	strace $0x90000047  }
0xf6: {  	s0 =	stileid.u32;
	[bflag:$0x2] =	sbarrier.arrive $0xFFFF  }
0xf7: {  	p0 =	sne.s32 s0, $0x0;
	s0 =	rddreg [dreg:$0x2]  }
0xf8: {  	s0 =	sadd.s32 @!p0 $0x100000, s0  }
0xf9: {  	[sflag:s0] =	ssyncadd.tile.s32 @!p0 $0x1;
	_ =	shalt  }
.Lfunc_end2:
_tile_overlayer_lowered:
.L_overlay_start_2:
0xfa: {  	(tag) =	ssettag $0x2  }
0xfb: {  	s0 =	rddreg [dreg:$0x0];
	s2 =	stileid.u32  }
0xfc: {  	s1 =	rddreg [dreg:$0x1];
	p0 =	sne.s32 s2, $0x0  }
0xfd: {  	s3 =	rddreg [dreg:$0x2];
	[bflag:$0x3] =	sbarrier.arrive $0xFFFF;
	s2 =	simm.s32 @!p0 $0x1C02  }
0xfe: {  	[timem:s3], [sflag:s2] =	dma.local @!p0 [hbm:s0], s1  }
0xff: {  	s0 =	simm.s32 @!p0 $0x2  }
0x100: {  	_ =	swait.ge @!p0 [sflag:s0], s1  }
0x101: {  	s1 =	ssub.s32 @!p0 $0x0, s1;
	[sflag:s0] =	ssyncset.done @!p0 $0x0  }
0x102: {  	[sflag:s0] =	ssyncadd.s32 @!p0 s1  }
0x103: {  	[bflag:$0x3] =	sbarrier.arrive $0xFFFF  }
0x104: {  	_ =	shalt  }

// kernel: kernel.9.cloned.1.call-start
scs
__scs_entry_jumppad:
0x0: {  	(pc) =	sbr.rel $0x88, $3  }
0x1: {  	(tag) =	ssettag $0x0;
	lr =	simm.s32 $0x1  }
0x2: {  	[smem:$0x3F9C] =	sst lr;
	_ =	strace $0xD0000000  }
0x3: {  	_ = 	snop  }
0x4: {  	_ = 	snop  }
0x5: {  	_ = 	snop  }
0x6: {  	_ = 	snop  }
0x7: {  	_ = 	snop  }
__scs_overlays_trampoline_lowered:
0x8: {  	[smem:$0x3FAB] =	sst s0  }
0x9: {  	[smem:$0x3FAC] =	sst s1  }
0xa: {  	[smem:$0x3FAD] =	sst s2  }
0xb: {  	[smem:$0x3FAE] =	sst s3  }
0xc: {  	[smem:$0x3FAF] =	sst s4  }
0xd: {  	[smem:$0x3FB0] =	sst s5  }
0xe: {  	[smem:$0x3FB1] =	sst s6  }
0xf: {  	[smem:$0x3FB2] =	sst s7  }
0x10: {  	[smem:$0x3FB3] =	sst s8  }
0x11: {  	[smem:$0x3FB4] =	sst s9;
	s0 =	simm.s32 @!p0 $0x0  }
0x12: {  	s1 =	sld [smem:$0x3F9A];
	s0 =	simm.s32 @p0 $0x1  }
0x13: {  	[smem:$0x3FB5] =	sst s0;
	s0 =	simm.s32 @!p1 $0x0  }
0x14: {  	s2 =	sld [smem:$0x3F99];
	s0 =	simm.s32 @p1 $0x1  }
0x15: {  	[smem:$0x3FB6] =	sst s0;
	s0 =	simm.s32 @!p2 $0x0  }
0x16: {  	s3 =	sld [smem:$0x3FDB];
	s0 =	simm.s32 @p2 $0x1  }
0x17: {  	s4 =	simm.s32 $0x1BF5;
	[smem:$0x3FB8] =	sst s0  }
0x18: {  	s0 =	sld [smem:$0x3F9B];
	_ =	swait.ge [sflag:s4], $0x0  }
0x19: {  	s7 =	sld [smem:$0x3F9C]  }
0x1a: {  	s8 =	sadd.s32 $0xFFFFE003, lr  }
0x1b: {  	s9 =	sadd.s32 $0xFFFFFEF7, lr;
	s5 =	simm.s32 $0xFFFFFFFF;
	p2 =	slt.u32 s8, $0xFFFFF086  }
0x1c: {  	p1 =	slt.u32 s9, $0xF7A;
	s5 =	simm.s32 @!p2 $0x0  }
0x1d: {  	s5 =	simm.s32 @p1 $0x1;
	p0 =	seq.s32 s7, s2  }
0x1e: {  	s7 =	smul.u32 @!p0 $0xF7A, s2;
	p2 =	seq.s32 @!p0 s5, $0x0  }
0x1f: {  	s9 =	smul.u32 $0xF7A, s1;
	s8 =	simm.s32 @!p0 $0x1BF5;
	p2 =	por !p2, p0  }
0x20: {  	[sflag:s8] =	ssyncset.s32 @!p0 $0xFFFFF086;
	s6 =	sadd.s32 @!p0 s3, s7;
	s7 =	simm.s32 @!p0 $0x108  }
0x21: {  	s3 =	sadd.s32 s3, s9;
	s6 =	sadd.s32 @!p0 $0x88, s6;
	s7 =	simm.s32 @p2 $0x1082  }
0x22: {  	[simem:s7], [sflag:s8] =	dma.local @!p0 [hbm:s6], $0xF7A  }
0x23: {  	s9 =	sor.u32 $0xD0000000, s2;
	s6 =	simm.s32 $0x108;
	_ =	swait.ge @!p0 [sflag:s8], $0x0  }
0x24: {  	s3 =	sadd.s32 $0x88, s3;
	s6 =	simm.s32 @!p1 $0x1082;
	[sflag:s4] =	ssyncset.s32 $0xFFFFF086  }
0x25: {  	[simem:s6], [sflag:s4] =	dma.local [hbm:s3], $0xF7A  }
0x26: {  	[smem:$0x3F9C] =	sst s1;
	(tag) =	ssettag s2;
	_ =	strace s9  }
0x27: {  	s1 =	sld [smem:$0x3FAC]  }
0x28: {  	s2 =	sld [smem:$0x3FAD]  }
0x29: {  	s4 =	sld [smem:$0x3FAF]  }
0x2a: {  	p0 =	seq.s32 s5, $0x0;
	s5 =	sld [smem:$0x3FB0]  }
0x2b: {  	s6 =	sld [smem:$0x3FB1]  }
0x2c: {  	s7 =	sld [smem:$0x3FB2]  }
0x2d: {  	s3 =	simm.s32 $0x108;
	s8 =	sld [smem:$0x3FB3]  }
0x2e: {  	s3 =	simm.s32 @!p0 $0x1082;
	s9 =	sld [smem:$0x3FB4]  }
0x2f: {  	lr =	sadd.s32 s0, s3;
	s0 =	sld [smem:$0x3FAB]  }
0x30: {  	s3 =	sld [smem:$0x3FAE]  }
0x31: {  	[smem:$0x3FB7] =	sst s10  }
0x32: {  	s10 =	sld [smem:$0x3FB5];
	_ =	sdelay $0x3  }
0x33: {  	p0 =	seq.s32 s10, $0x1;
	s10 =	sld [smem:$0x3FB7];
	_ =	sdelay $0x3  }
0x34: {  	[smem:$0x3FB7] =	sst s10  }
0x35: {  	s10 =	sld [smem:$0x3FB6];
	_ =	sdelay $0x3  }
0x36: {  	p1 =	seq.s32 s10, $0x1;
	s10 =	sld [smem:$0x3FB7];
	_ =	sdelay $0x3  }
0x37: {  	[smem:$0x3FB7] =	sst s10  }
0x38: {  	s10 =	sld [smem:$0x3FB8]  }
0x39: {  	_ = 	snop;
	(pc) =	sbr.ind lr, $3  }
0x3a: {  	_ = 	snop  }
0x3b: {  	_ = 	snop  }
0x3c: {  	p2 =	seq.s32 s10, $0x1;
	s10 =	sld [smem:$0x3FB7]  }
0x3d: {  	_ =	shalt  }
0x3e: {  	_ =	shalt  }
0x3f: {  	_ =	shalt  }
0x40: {  	_ =	shalt  }
0x41: {  	_ =	shalt  }
0x42: {  	_ =	shalt  }
0x43: {  	_ =	shalt  }
0x44: {  	_ =	shalt  }
0x45: {  	_ =	shalt  }
0x46: {  	_ =	shalt  }
0x47: {  	_ =	shalt  }
0x48: {  	_ =	shalt  }
0x49: {  	_ =	shalt  }
0x4a: {  	_ =	shalt  }
0x4b: {  	_ =	shalt  }
0x4c: {  	_ =	shalt  }
0x4d: {  	_ =	shalt  }
0x4e: {  	_ =	shalt  }
0x4f: {  	_ =	shalt  }
0x50: {  	_ =	shalt  }
0x51: {  	_ =	shalt  }
0x52: {  	_ =	shalt  }
0x53: {  	_ =	shalt  }
0x54: {  	_ =	shalt  }
0x55: {  	_ =	shalt  }
0x56: {  	_ =	shalt  }
0x57: {  	_ =	shalt  }
0x58: {  	_ =	shalt  }
0x59: {  	_ =	shalt  }
0x5a: {  	_ =	shalt  }
0x5b: {  	_ =	shalt  }
0x5c: {  	_ =	shalt  }
0x5d: {  	_ =	shalt  }
0x5e: {  	_ =	shalt  }
0x5f: {  	_ =	shalt  }
0x60: {  	_ =	shalt  }
0x61: {  	_ =	shalt  }
0x62: {  	_ =	shalt  }
0x63: {  	_ =	shalt  }
0x64: {  	_ =	shalt  }
0x65: {  	_ =	shalt  }
0x66: {  	_ =	shalt  }
0x67: {  	_ =	shalt  }
0x68: {  	_ =	shalt  }
0x69: {  	_ =	shalt  }
0x6a: {  	_ =	shalt  }
0x6b: {  	_ =	shalt  }
0x6c: {  	_ =	shalt  }
0x6d: {  	_ =	shalt  }
0x6e: {  	_ =	shalt  }
0x6f: {  	_ =	shalt  }
0x70: {  	_ =	shalt  }
0x71: {  	_ =	shalt  }
0x72: {  	_ =	shalt  }
0x73: {  	_ =	shalt  }
0x74: {  	_ =	shalt  }
0x75: {  	_ =	shalt  }
0x76: {  	_ =	shalt  }
0x77: {  	_ =	shalt  }
0x78: {  	_ =	shalt  }
0x79: {  	_ =	shalt  }
0x7a: {  	_ =	shalt  }
0x7b: {  	_ =	shalt  }
0x7c: {  	_ =	shalt  }
0x7d: {  	_ =	shalt  }
0x7e: {  	_ =	shalt  }
0x7f: {  	_ =	shalt  }
0x80: {  	_ =	shalt  }
0x81: {  	_ =	shalt  }
0x82: {  	_ =	shalt  }
0x83: {  	_ =	shalt  }
0x84: {  	_ =	shalt  }
0x85: {  	_ =	shalt  }
0x86: {  	_ =	shalt  }
0x87: {  	_ =	shalt  }
.Lfunc_end0:
.L_simem_size_0:
called_computation.1_lowered:
.L_overlay_start_0:
0x88: {  	s2 =	sld [smem:$0x3FD9]  }
0x89: {  	s3 =	sld [smem:$0x3FFE];
	_ =	sdelay $0x1  }
0x8a: {  	s1 =	srdreg.scid  }
0x8b: {  	s0 =	sand.u32 $0x1, s1  }
0x8c: {  	s17 =	sshll.u32 s0, $0xA;
	s2 =	sadd.s32 s3, s2  }
0x8d: {  	s2 =	sadd.s32 s2, s17  }
0x8e: {  	[smem:$0x3FC3] =	sst s2  }
0x8f: {  	_ = 	snop  }
0x90: {  	s4 =	sld [smem:$0x3FC5]  }
0x91: {  	s18 =	sld [smem:$0x3FD0];
	(tm) =	ssettm $0x1  }
0x92: {  	s19 =	sld [smem:$0x3FFB];
	_ =	sdelay $0x3  }
0x93: {  	_ =	strace s19  }
0x94: {  	s2 =	sld [smem:$0x3FFC];
	_ =	sdelay $0x3  }
0x95: {  	_ =	strace s2  }
0x96: {  	s2 =	sld [smem:$0x3FFD];
	_ =	sdelay $0x3  }
0x97: {  	_ =	strace s2  }
0x98: {  	_ =	strace $0x8FFFFFFF  }
0x99: {  	s20 =	sld [smem:$0x3FDB];
	_ =	sdelay $0x1  }
0x9a: {  	s5 =	simm.s32 $_scs_section_size  }
0x9b: {  	s6 =	simm.s32 $_size__tile_overlayer_lowered;
	s7 =	simm.s32 $_tile_overlayer_lowered  }
0x9c: {  	s8 =	simm.s32 $0x1BFF;
	s21 =	sshll.u32 s7, $0x1;
	s5 =	sadd.s32 s5, s20  }
0x9d: {  	s22 =	simm.s32 $0x0;
	s6 =	sshll.u32 s6, $0x1;
	s7 =	sadd.s32 s21, s5  }
0x9e: {  	[timem:s22], [sflag:s8] =	dma.local [hbm:s7], s6  }
0x9f: {  	_ =	swait.ge [sflag:s8], s6  }
0xa0: {  	s6 =	ssub.s32 $0x0, s6;
	[sflag:s8] =	ssyncset.done $0x0  }
0xa1: {  	[sflag:s8] =	ssyncadd.s32 s6;
	_ =	sdelay $0x1  }
0xa2: {  	s23 =	simm.s32 $0x1B8B  }
0xa3: {  	_ =	swait.ge [sflag:s23], $0x1  }
0xa4: {  	[sflag:s23] =	ssyncset.done $0x0  }
0xa5: {  	[sflag:s23] =	ssyncadd.s32 $0xFFFFFFFF  }
0xa6: {  	s6 =	sld [smem:$0x0]  }
0xa7: {  	s7 =	sand.u32 $0xFFFFFFFE, s1  }
0xa8: {  	p0 =	sne.s32 s1, s7  }
0xa9: {  	s7 =	sshll.u32 @p0 s7, $0xE  }
0xaa: {  	s7 =	sadd.s32 @p0 $0x11B8D, s7;
	s8 =	sshll.u32 @p0 s6, $0x11  }
0xab: {  	s7 =	sor.u32 @p0 s8, s7  }
0xac: {  	[sflag:s7] =	ssyncadd.remote.s32 @p0 $0x1;
	_ =	sdelay $0x1  }
0xad: {  	s7 =	simm.s32 @p0 $0x1B8D  }
0xae: {  	_ =	swait.eq @p0 [sflag:s7], $0x1  }
0xaf: {  	[sflag:s7] =	ssyncadd.s32 @p0 $0xFFFFFFFF  }
0xb0: {  	s8 =	sshll.u32 @!p0 s1, $0xE  }
0xb1: {  	s8 =	sor.u32 @!p0 $0x4000, s8;
	s7 =	simm.s32 @!p0 $0x1B8D  }
0xb2: {  	s6 =	sshll.u32 @!p0 s6, $0x11;
	s8 =	sadd.s32 @!p0 $0x11B8D, s8;
	_ =	swait.eq @!p0 [sflag:s7], $0x1  }
0xb3: {  	s6 =	sor.u32 @!p0 s6, s8;
	[sflag:s7] =	ssyncadd.s32 @!p0 $0xFFFFFFFF  }
0xb4: {  	s25 =	simm.s32 $0x1B8E;
	s24 =	sld [smem:$0x3FFE];
	[sflag:s6] =	ssyncadd.remote.s32 @!p0 $0x1  }
0xb5: {  	s26 =	simm.s32 $execute0_lowered;
	[smem:$0x3FD2] =	sst s25  }
0xb6: {  	s7 =	sshll.u32 s26, $0x1;
	_ =	strace $0x80000049;
	[dreg:$0x1] =	wrdreg $0xFFFFFFFF  }
0xb7: {  	s28 =	simm.s32 $_size_execute0_lowered;
	s5 =	sadd.s32 s5, s7;
	[dreg:$0x0] =	wrdreg $0x0  }
0xb8: {  	s7 =	sshll.u32 s28, $0x1;
	[dreg:$0x2] =	wrdreg s5  }
0xb9: {  	[dreg:$0x3] =	wrdreg s7  }
0xba: {  	[dreg:$0x4] =	wrdreg $0xC0  }
0xbb: {  	_ =	task [dreg:s22], $0x5FFFF  }
0xbc: {  	[dreg:$0x1] =	wrdreg $0xFFFFFFFF  }
0xbd: {  	[dreg:$0x0] =	wrdreg $0x60  }
0xbe: {  	[dreg:$0x2] =	wrdreg s4  }
0xbf: {  	[dreg:$0x3] =	wrdreg s24  }
0xc0: {  	[dreg:$0x4] =	wrdreg s18  }
0xc1: {  	[dreg:$0x5] =	wrdreg $0xA  }
0xc2: {  	_ =	task.clear_ibuf [dreg:s22], $0x6FFFF;
	_ =	strace $0x90000049  }
0xc3: {  	s29 =	simm.s32 $0xA;
	_ =	strace $0x8000004B  }
0xc4: {  	_ =	swait.ge [sflag:s29], $0x1  }
0xc5: {  	[sflag:s29] =	ssyncadd.s32 $0xFFFFFFFF  }
0xc6: {  	_ =	strace $0x9000004B  }
0xc7: {  	_ =	sfence  }
0xc8: {  	s30 =	sld [smem:$0x0];
	_ =	sdelay $0x2  }
0xc9: {  	s31 =	sshll.u32 s1, $0xD;
	s1 =	sshrl.u32 s1, $0x2  }
0xca: {  	s4 =	sand.u32 $0x4000, s31;
	s1 =	sadd.s32 s1, s30  }
0xcb: {  	s0 =	sor.u32 s4, s0;
	s1 =	sshll.u32 s1, $0x11  }
0xcc: {  	s0 =	sor.u32 s1, s0  }
0xcd: {  	s0 =	sadd.s32 $0x8F2B, s0  }
0xce: {  	[sflag:s0] =	ssyncadd.remote.s32 $0x1  }
0xcf: {  	_ =	sfence.sel $0xFFFF  }
0xd0: {  	[dreg:$0x0] =	wrdreg $0xFFFFFFFF;
	(pc) =	sbr.abs _section_cstart, $3  }
0xd1: {  	[dreg:$0x1] =	wrdreg $0xFFFFFFFF  }
0xd2: {  	_ =	task.clear_ibuf [dreg:s22], $0x2FFFF;
	_ =	strace $0x9FFFFFFF  }
0xd3: {  	(tm) =	ssettm $0x7FFFFFFF  }
tec
execute0_lowered:
.L_overlay_start_1:
0x0: {  	(tag) =	ssettag $0x1  }
0x1: {  	s1 =	rddreg [dreg:$0x0]  }
0x2: {  	s0 =	rddreg [dreg:$0x1];
	s3 =	simm.s32 $0x0;
	s2 =	srdreg.scid  }
0x3: {  	s4 =	stileid.u32;
	s11 =	simm.s32 $0x2;
	s28 =	simm.s32 $0x13880  }
0x4: {  	s29 =	simm.s32 $0x14080;
	s30 =	simm.s32 $0x14880;
	s31 =	simm.s32 $0x15080  }
0x5: {  	s10 =	simm.s32 $0x16880;
	s12 =	simm.s32 $0x1;
	s13 =	simm.s32 $0x18080  }
0x6: {  	s14 =	simm.s32 $0x1C080;
	s16 =	simm.s32 $0x0;
	[smem:$0x7FF] =	sst s3  }
0x7: {  	s2 =	sand.u32 $0x1, s2;
	s5 =	sadd.s32 $0x1600, s0;
	s6 =	sadd.s32 $0x1A00, s0  }
0x8: {  	s26 =	sshll.u32 s4, $0x6;
	s8 =	sadd.s32 $0x100, s1;
	s24 =	ssub.s32 $0x2, s2  }
0x9: {  	s9 =	sadd.s32 $0x200, s1;
	s4 =	simm.s32 $0x16080;
	s25 =	sshrl.u32 s24, $0x1  }
0xa: {  	v2 =	vlaneseq.u32;
	s3 =	simm.s32 $0x17880;
	s2 =	sshll.u32 s2, $0x5;
	s0 =	ssub.s32 s24, s25  }
0xb: {  	vm0 =	vmmov $0xffff;
	v1 =	vshrl.u32 v2, $0x3;
	_ =	strace $0x8000004A;
	s7 =	sor.u32 s2, s26;
	s0 =	smax.u32 s0, $0x1  }
0xc: {  	v0 =	vand.u32 $0x7, v2;
	v2 =	vor.u32 $0x8, v2;
	v1 =	vmul.u32 $0x8, v1;
	s2 =	simm.s32 $0x17080;
	[dreg:$0x4] =	wrdreg s0;
	s0 =	simm.s32 $0x15880  }
.LBB2_1:
0xd: {  	[dreg:$0x5] =	wrdreg s16;
	p0 =	por $0x1, $0x1;
	s15 =	simm.s32 $0x0  }
.LBB2_2:
0xe: {  	s15 =	sor.u32 s7, s15  }
0xf: {  	s16 =	simm.s32 $0x0;
	s17 =	sadd.s32 s5, s15  }
0x10: {  	[tilespmem:s16], [sflag:$0x2] =	stream.linear.gather [hbm4b:s17+s16], $0x80, $0x38;
	[tilespmem:$0x1F080] =	vst v63  }
0x11: {  	_ =	swait.ge [sflag:s11], $0x80  }
0x12: {  	[sflag:s11] =	ssyncset.done $0x0  }
0x13: {  	[sflag:s11] =	ssyncadd.s32 $0xFFFFFF80  }
0x14: {  	v3 =	vld [tilespmem:$0x0];
	_ =	sdelay $0x4  }
0x15: {  	v4 =	vshrl.u32 v3, $0x3  }
0x16: {  	v4 =	vmul.u32 $0x30, v4  }
0x17: {  	v3 =	vand.u32 $0x7, v3  }
0x18: {  	v3 =	vor.u32 v3, v4  }
0x19: {  	v4 =	vperm.xlane v3, v0;
	_ =	sdelay $0x1  }
0x1a: {  	v4 =	vadd.s32 v1, v4;
	_ =	sdelay $0x3  }
0x1b: {  	s23 =	simm.s32 $0x80;
	v3 =	vperm.xlane v3, v2  }
0x1c: {  	[tilespmem:s23], [sflag:$0x1] =	stream.indirect_vreg.gather [hbm4b:s1+s16], $0x80, v4, vm0, $0xb8;
	[tilespmem:$0x1F080] =	vst v63  }
0x1d: {  	s24 =	simm.s32 $0x880;
	v3 =	vadd.s32 v1, v3  }
0x1e: {  	[tilespmem:s24], [sflag:$0x1] =	stream.indirect_vreg.gather [hbm4b:s8+s16], $0x80, v4, vm0, $0xb8;
	[tilespmem:$0x1F080] =	vst v63  }
0x1f: {  	s25 =	simm.s32 $0x1080  }
0x20: {  	[tilespmem:s25], [sflag:$0x1] =	stream.indirect_vreg.gather [hbm4b:s9+s16], $0x80, v4, vm0, $0xb8;
	[tilespmem:$0x1F080] =	vst v63  }
0x21: {  	s26 =	simm.s32 $0x1880  }
0x22: {  	[tilespmem:s26], [sflag:$0x1] =	stream.indirect_vreg.gather [hbm4b:s1+s16], $0x80, v3, vm0, $0xb8;
	[tilespmem:$0x1F080] =	vst v63  }
0x23: {  	s18 =	simm.s32 $0x2080  }
0x24: {  	[tilespmem:s18], [sflag:$0x1] =	stream.indirect_vreg.gather [hbm4b:s8+s16], $0x80, v3, vm0, $0xb8;
	[tilespmem:$0x1F080] =	vst v63  }
0x25: {  	s19 =	simm.s32 $0x2880  }
0x26: {  	[tilespmem:s19], [sflag:$0x1] =	stream.indirect_vreg.gather [hbm4b:s9+s16], $0x80, v3, vm0, $0xb8;
	[tilespmem:$0x1F080] =	vst v63  }
0x27: {  	v3 =	vld [tilespmem:$0x10];
	_ =	sdelay $0x4  }
0x28: {  	v57 =	vshrl.u32 v3, $0x3  }
0x29: {  	v4 =	vmul.u32 $0x30, v57  }
0x2a: {  	v3 =	vand.u32 $0x7, v3  }
0x2b: {  	v3 =	vor.u32 v3, v4  }
0x2c: {  	v4 =	vperm.xlane v3, v0;
	_ =	sdelay $0x1  }
0x2d: {  	v4 =	vadd.s32 v1, v4;
	_ =	sdelay $0x3  }
0x2e: {  	s20 =	simm.s32 $0x3080;
	v3 =	vperm.xlane v3, v2  }
0x2f: {  	[tilespmem:s20], [sflag:$0x1] =	stream.indirect_vreg.gather [hbm4b:s1+s16], $0x80, v4, vm0, $0xb8;
	[tilespmem:$0x1F080] =	vst v63  }
0x30: {  	s21 =	simm.s32 $0x3880;
	v3 =	vadd.s32 v1, v3  }
0x31: {  	[tilespmem:s21], [sflag:$0x1] =	stream.indirect_vreg.gather [hbm4b:s8+s16], $0x80, v4, vm0, $0xb8;
	[tilespmem:$0x1F080] =	vst v63  }
0x32: {  	s22 =	simm.s32 $0x4080  }
0x33: {  	[tilespmem:s22], [sflag:$0x1] =	stream.indirect_vreg.gather [hbm4b:s9+s16], $0x80, v4, vm0, $0xb8;
	[tilespmem:$0x1F080] =	vst v63  }
0x34: {  	s23 =	simm.s32 $0x4880  }
0x35: {  	[tilespmem:s23], [sflag:$0x1] =	stream.indirect_vreg.gather [hbm4b:s1+s16], $0x80, v3, vm0, $0xb8;
	[tilespmem:$0x1F080] =	vst v63  }
0x36: {  	s24 =	simm.s32 $0x5080  }
0x37: {  	[tilespmem:s24], [sflag:$0x1] =	stream.indirect_vreg.gather [hbm4b:s8+s16], $0x80, v3, vm0, $0xb8;
	[tilespmem:$0x1F080] =	vst v63  }
0x38: {  	s25 =	simm.s32 $0x5880  }
0x39: {  	[tilespmem:s25], [sflag:$0x1] =	stream.indirect_vreg.gather [hbm4b:s9+s16], $0x80, v3, vm0, $0xb8;
	[tilespmem:$0x1F080] =	vst v63  }
0x3a: {  	v3 =	vld [tilespmem:$0x20];
	_ =	sdelay $0x4  }
0x3b: {  	v58 =	vshrl.u32 v3, $0x3  }
0x3c: {  	v4 =	vmul.u32 $0x30, v58  }
0x3d: {  	v3 =	vand.u32 $0x7, v3  }
0x3e: {  	v3 =	vor.u32 v3, v4  }
0x3f: {  	v4 =	vperm.xlane v3, v0;
	_ =	sdelay $0x1  }
0x40: {  	v4 =	vadd.s32 v1, v4;
	_ =	sdelay $0x3  }
0x41: {  	s26 =	simm.s32 $0x6080;
	v3 =	vperm.xlane v3, v2  }
0x42: {  	[tilespmem:s26], [sflag:$0x1] =	stream.indirect_vreg.gather [hbm4b:s1+s16], $0x80, v4, vm0, $0xb8;
	[tilespmem:$0x1F080] =	vst v63  }
0x43: {  	s18 =	simm.s32 $0x6880;
	v3 =	vadd.s32 v1, v3  }
0x44: {  	[tilespmem:s18], [sflag:$0x1] =	stream.indirect_vreg.gather [hbm4b:s8+s16], $0x80, v4, vm0, $0xb8;
	[tilespmem:$0x1F080] =	vst v63  }
0x45: {  	s19 =	simm.s32 $0x7080  }
0x46: {  	[tilespmem:s19], [sflag:$0x1] =	stream.indirect_vreg.gather [hbm4b:s9+s16], $0x80, v4, vm0, $0xb8;
	[tilespmem:$0x1F080] =	vst v63  }
0x47: {  	s20 =	simm.s32 $0x7880  }
0x48: {  	[tilespmem:s20], [sflag:$0x1] =	stream.indirect_vreg.gather [hbm4b:s1+s16], $0x80, v3, vm0, $0xb8;
	[tilespmem:$0x1F080] =	vst v63  }
0x49: {  	s21 =	simm.s32 $0x8080  }
0x4a: {  	[tilespmem:s21], [sflag:$0x1] =	stream.indirect_vreg.gather [hbm4b:s8+s16], $0x80, v3, vm0, $0xb8;
	[tilespmem:$0x1F080] =	vst v63  }
0x4b: {  	s22 =	simm.s32 $0x8880  }
0x4c: {  	[tilespmem:s22], [sflag:$0x1] =	stream.indirect_vreg.gather [hbm4b:s9+s16], $0x80, v3, vm0, $0xb8;
	[tilespmem:$0x1F080] =	vst v63  }
0x4d: {  	v3 =	vld [tilespmem:$0x30];
	_ =	sdelay $0x4  }
0x4e: {  	v59 =	vshrl.u32 v3, $0x3  }
0x4f: {  	v4 =	vmul.u32 $0x30, v59  }
0x50: {  	v3 =	vand.u32 $0x7, v3  }
0x51: {  	v3 =	vor.u32 v3, v4  }
0x52: {  	v4 =	vperm.xlane v3, v0;
	_ =	sdelay $0x1  }
0x53: {  	v4 =	vadd.s32 v1, v4;
	_ =	sdelay $0x3  }
0x54: {  	s23 =	simm.s32 $0x9080;
	v3 =	vperm.xlane v3, v2  }
0x55: {  	[tilespmem:s23], [sflag:$0x1] =	stream.indirect_vreg.gather [hbm4b:s1+s16], $0x80, v4, vm0, $0xb8;
	[tilespmem:$0x1F080] =	vst v63  }
0x56: {  	s24 =	simm.s32 $0x9880;
	v3 =	vadd.s32 v1, v3  }
0x57: {  	[tilespmem:s24], [sflag:$0x1] =	stream.indirect_vreg.gather [hbm4b:s8+s16], $0x80, v4, vm0, $0xb8;
	[tilespmem:$0x1F080] =	vst v63  }
0x58: {  	s25 =	simm.s32 $0xA080  }
0x59: {  	[tilespmem:s25], [sflag:$0x1] =	stream.indirect_vreg.gather [hbm4b:s9+s16], $0x80, v4, vm0, $0xb8;
	[tilespmem:$0x1F080] =	vst v63  }
0x5a: {  	s26 =	simm.s32 $0xA880  }
0x5b: {  	[tilespmem:s26], [sflag:$0x1] =	stream.indirect_vreg.gather [hbm4b:s1+s16], $0x80, v3, vm0, $0xb8;
	[tilespmem:$0x1F080] =	vst v63  }
0x5c: {  	s18 =	simm.s32 $0xB080  }
0x5d: {  	[tilespmem:s18], [sflag:$0x1] =	stream.indirect_vreg.gather [hbm4b:s8+s16], $0x80, v3, vm0, $0xb8;
	[tilespmem:$0x1F080] =	vst v63  }
0x5e: {  	s19 =	simm.s32 $0xB880  }
0x5f: {  	[tilespmem:s19], [sflag:$0x1] =	stream.indirect_vreg.gather [hbm4b:s9+s16], $0x80, v3, vm0, $0xb8;
	[tilespmem:$0x1F080] =	vst v63  }
0x60: {  	v3 =	vld [tilespmem:$0x40];
	_ =	sdelay $0x4  }
0x61: {  	v60 =	vshrl.u32 v3, $0x3  }
0x62: {  	v4 =	vmul.u32 $0x30, v60  }
0x63: {  	v3 =	vand.u32 $0x7, v3  }
0x64: {  	v3 =	vor.u32 v3, v4  }
0x65: {  	v4 =	vperm.xlane v3, v0;
	_ =	sdelay $0x1  }
0x66: {  	v4 =	vadd.s32 v1, v4;
	_ =	sdelay $0x3  }
0x67: {  	s20 =	simm.s32 $0xC080;
	v3 =	vperm.xlane v3, v2  }
0x68: {  	[tilespmem:s20], [sflag:$0x1] =	stream.indirect_vreg.gather [hbm4b:s1+s16], $0x80, v4, vm0, $0xb8;
	[tilespmem:$0x1F080] =	vst v63  }
0x69: {  	s21 =	simm.s32 $0xC880;
	v3 =	vadd.s32 v1, v3  }
0x6a: {  	[tilespmem:s21], [sflag:$0x1] =	stream.indirect_vreg.gather [hbm4b:s8+s16], $0x80, v4, vm0, $0xb8;
	[tilespmem:$0x1F080] =	vst v63  }
0x6b: {  	s22 =	simm.s32 $0xD080  }
0x6c: {  	[tilespmem:s22], [sflag:$0x1] =	stream.indirect_vreg.gather [hbm4b:s9+s16], $0x80, v4, vm0, $0xb8;
	[tilespmem:$0x1F080] =	vst v63  }
0x6d: {  	s23 =	simm.s32 $0xD880  }
0x6e: {  	[tilespmem:s23], [sflag:$0x1] =	stream.indirect_vreg.gather [hbm4b:s1+s16], $0x80, v3, vm0, $0xb8;
	[tilespmem:$0x1F080] =	vst v63  }
0x6f: {  	s24 =	simm.s32 $0xE080  }
0x70: {  	[tilespmem:s24], [sflag:$0x1] =	stream.indirect_vreg.gather [hbm4b:s8+s16], $0x80, v3, vm0, $0xb8;
	[tilespmem:$0x1F080] =	vst v63  }
0x71: {  	s25 =	simm.s32 $0xE880  }
0x72: {  	[tilespmem:s25], [sflag:$0x1] =	stream.indirect_vreg.gather [hbm4b:s9+s16], $0x80, v3, vm0, $0xb8;
	[tilespmem:$0x1F080] =	vst v63  }
0x73: {  	v3 =	vld [tilespmem:$0x50];
	_ =	sdelay $0x4  }
0x74: {  	v61 =	vshrl.u32 v3, $0x3  }
0x75: {  	v4 =	vmul.u32 $0x30, v61  }
0x76: {  	v3 =	vand.u32 $0x7, v3  }
0x77: {  	v3 =	vor.u32 v3, v4  }
0x78: {  	v4 =	vperm.xlane v3, v0;
	_ =	sdelay $0x1  }
0x79: {  	v4 =	vadd.s32 v1, v4;
	_ =	sdelay $0x3  }
0x7a: {  	s26 =	simm.s32 $0xF080;
	v3 =	vperm.xlane v3, v2  }
0x7b: {  	[tilespmem:s26], [sflag:$0x1] =	stream.indirect_vreg.gather [hbm4b:s1+s16], $0x80, v4, vm0, $0xb8;
	[tilespmem:$0x1F080] =	vst v63  }
0x7c: {  	s18 =	simm.s32 $0xF880;
	v3 =	vadd.s32 v1, v3  }
0x7d: {  	[tilespmem:s18], [sflag:$0x1] =	stream.indirect_vreg.gather [hbm4b:s8+s16], $0x80, v4, vm0, $0xb8;
	[tilespmem:$0x1F080] =	vst v63  }
0x7e: {  	s19 =	simm.s32 $0x10080  }
0x7f: {  	[tilespmem:s19], [sflag:$0x1] =	stream.indirect_vreg.gather [hbm4b:s9+s16], $0x80, v4, vm0, $0xb8;
	[tilespmem:$0x1F080] =	vst v63  }
0x80: {  	s20 =	simm.s32 $0x10880  }
0x81: {  	[tilespmem:s20], [sflag:$0x1] =	stream.indirect_vreg.gather [hbm4b:s1+s16], $0x80, v3, vm0, $0xb8;
	[tilespmem:$0x1F080] =	vst v63  }
0x82: {  	s21 =	simm.s32 $0x11080  }
0x83: {  	[tilespmem:s21], [sflag:$0x1] =	stream.indirect_vreg.gather [hbm4b:s8+s16], $0x80, v3, vm0, $0xb8;
	[tilespmem:$0x1F080] =	vst v63  }
0x84: {  	s22 =	simm.s32 $0x11880  }
0x85: {  	[tilespmem:s22], [sflag:$0x1] =	stream.indirect_vreg.gather [hbm4b:s9+s16], $0x80, v3, vm0, $0xb8;
	[tilespmem:$0x1F080] =	vst v63  }
0x86: {  	v3 =	vld [tilespmem:$0x60];
	_ =	sdelay $0x4  }
0x87: {  	v62 =	vshrl.u32 v3, $0x3  }
0x88: {  	v4 =	vmul.u32 $0x30, v62  }
0x89: {  	v3 =	vand.u32 $0x7, v3  }
0x8a: {  	v3 =	vor.u32 v3, v4  }
0x8b: {  	v4 =	vperm.xlane v3, v0;
	_ =	sdelay $0x1  }
0x8c: {  	v4 =	vadd.s32 v1, v4;
	_ =	sdelay $0x3  }
0x8d: {  	s23 =	simm.s32 $0x12080;
	v3 =	vperm.xlane v3, v2  }
0x8e: {  	[tilespmem:s23], [sflag:$0x1] =	stream.indirect_vreg.gather [hbm4b:s1+s16], $0x80, v4, vm0, $0xb8;
	[tilespmem:$0x1F080] =	vst v63  }
0x8f: {  	s24 =	simm.s32 $0x12880;
	v3 =	vadd.s32 v1, v3  }
0x90: {  	[tilespmem:s24], [sflag:$0x1] =	stream.indirect_vreg.gather [hbm4b:s8+s16], $0x80, v4, vm0, $0xb8;
	[tilespmem:$0x1F080] =	vst v63  }
0x91: {  	s25 =	simm.s32 $0x13080  }
0x92: {  	[tilespmem:s25], [sflag:$0x1] =	stream.indirect_vreg.gather [hbm4b:s9+s16], $0x80, v4, vm0, $0xb8;
	[tilespmem:$0x1F080] =	vst v63  }
0x93: {  	_ = 	snop  }
0x94: {  	[tilespmem:s28], [sflag:$0x1] =	stream.indirect_vreg.gather [hbm4b:s1+s16], $0x80, v3, vm0, $0xb8;
	[tilespmem:$0x1F080] =	vst v63  }
0x95: {  	_ = 	snop  }
0x96: {  	[tilespmem:s29], [sflag:$0x1] =	stream.indirect_vreg.gather [hbm4b:s8+s16], $0x80, v3, vm0, $0xb8;
	[tilespmem:$0x1F080] =	vst v63  }
0x97: {  	_ = 	snop  }
0x98: {  	[tilespmem:s30], [sflag:$0x1] =	stream.indirect_vreg.gather [hbm4b:s9+s16], $0x80, v3, vm0, $0xb8;
	[tilespmem:$0x1F080] =	vst v63  }
0x99: {  	v3 =	vld [tilespmem:$0x70];
	_ =	sdelay $0x4  }
0x9a: {  	v63 =	vshrl.u32 v3, $0x3  }
0x9b: {  	v4 =	vmul.u32 $0x30, v63  }
0x9c: {  	v3 =	vand.u32 $0x7, v3  }
0x9d: {  	v3 =	vor.u32 v3, v4  }
0x9e: {  	v4 =	vperm.xlane v3, v0;
	_ =	sdelay $0x1  }
0x9f: {  	v4 =	vadd.s32 v1, v4;
	_ =	sdelay $0x3  }
0xa0: {  	v3 =	vperm.xlane v3, v2  }
0xa1: {  	[tilespmem:s31], [sflag:$0x1] =	stream.indirect_vreg.gather [hbm4b:s1+s16], $0x80, v4, vm0, $0xb8;
	[tilespmem:$0x1F080] =	vst v63  }
0xa2: {  	v3 =	vadd.s32 v1, v3  }
0xa3: {  	[tilespmem:s0], [sflag:$0x1] =	stream.indirect_vreg.gather [hbm4b:s8+s16], $0x80, v4, vm0, $0xb8;
	[tilespmem:$0x1F080] =	vst v63  }
0xa4: {  	_ = 	snop  }
0xa5: {  	[tilespmem:s4], [sflag:$0x1] =	stream.indirect_vreg.gather [hbm4b:s9+s16], $0x80, v4, vm0, $0xb8;
	[tilespmem:$0x1F080] =	vst v63  }
0xa6: {  	_ = 	snop  }
0xa7: {  	[tilespmem:s10], [sflag:$0x1] =	stream.indirect_vreg.gather [hbm4b:s1+s16], $0x80, v3, vm0, $0xb8;
	[tilespmem:$0x1F080] =	vst v63  }
0xa8: {  	_ = 	snop  }
0xa9: {  	[tilespmem:s2], [sflag:$0x1] =	stream.indirect_vreg.gather [hbm4b:s8+s16], $0x80, v3, vm0, $0xb8;
	[tilespmem:$0x1F080] =	vst v63  }
0xaa: {  	_ = 	snop  }
0xab: {  	[tilespmem:s3], [sflag:$0x1] =	stream.indirect_vreg.gather [hbm4b:s9+s16], $0x80, v3, vm0, $0xb8;
	[tilespmem:$0x1F080] =	vst v63  }
0xac: {  	_ =	swait.ge [sflag:s12], $0x18000  }
0xad: {  	[sflag:s12] =	ssyncset.done $0x0  }
0xae: {  	[sflag:s12] =	ssyncadd.s32 $0xFFFE8000  }
0xaf: {  	s26 =	sshll.u32 s15, $0x7;
	s18 =	rddreg [dreg:$0x2]  }
0xb0: {  	s17 =	sadd.s32 s18, s26  }
0xb1: {  	[tilespmem:s13], [sflag:$0x2] =	stream.linear.gather [hbm4b:s17+s16], $0x4000, $0x38;
	[tilespmem:$0x1F080] =	vst v63  }
0xb2: {  	_ =	swait.ge [sflag:s11], $0x4000  }
0xb3: {  	[sflag:s11] =	ssyncset.done $0x0  }
0xb4: {  	p1 =	por p0, p0;
	s17 =	simm.s32 $0x0;
	[sflag:s11] =	ssyncadd.s32 $0xFFFFC000  }
.LBB2_3:
0xb5: {  	s18 =	smul.u32 $0x6000, s17;
	s19 =	sshrl.u32 s17, $0x3;
	s26 =	sshll.u32 s17, $0x7  }
0xb6: {  	s20 =	sshll.u32 s17, $0xA;
	s24 =	simm.s32 $0x0;
	s19 =	smul.u32 $0x6000, s19  }
0xb7: {  	s21 =	sand.u32 $0x3FFFFC00, s20;
	s20 =	sand.u32 $0x1C00, s16;
	s18 =	sshra.s32 s18, $0x2  }
0xb8: {  	s22 =	sor.u32 $0x80, s18;
	s18 =	sand.u32 $0x380, s26;
	s19 =	sshra.s32 s19, $0x2  }
0xb9: {  	s18 =	sor.u32 s18, s19;
	s19 =	sand.u32 $0x70, s16;
	s23 =	sadd.s32 s20, s22  }
0xba: {  	v3 =	vld [tilespmem:s21+$0x18080];
	s18 =	sadd.s32 $0x1C080, s18;
	s25 =	sadd.s32 s19, s23;
	s23 =	simm.s32 $0x10  }
.LBB2_4:
0xbb: {  	p0 =	sne.s32 s23, $0x2F0;
	v4 =	vld [tilespmem:s25+$0x0]  }
0xbc: {  	v5 =	vld [tilespmem:s25+$0x80]  }
0xbd: {  	v6 =	vld [tilespmem:s21+$0x18100]  }
0xbe: {  	v7 =	vld [tilespmem:s25+$0x100]  }
0xbf: {  	v8 =	vld [tilespmem:s21+$0x18180]  }
0xc0: {  	v9 =	vld [tilespmem:s25+$0x180]  }
0xc1: {  	v10 =	vld [tilespmem:s21+$0x18200]  }
0xc2: {  	v3 =	vmul.f32 v3, v4;
	v4 =	vmul.f32 v6, v5;
	v5 =	vld [tilespmem:s25+$0x200]  }
0xc3: {  	v6 =	vld [tilespmem:s21+$0x18280]  }
0xc4: {  	v3 =	vadd.f32 v4, v3;
	v4 =	vmul.f32 v8, v7;
	v7 =	vld [tilespmem:s25+$0x280]  }
0xc5: {  	v8 =	vld [tilespmem:s21+$0x18300]  }
0xc6: {  	v3 =	vadd.f32 v4, v3;
	v4 =	vmul.f32 v10, v9;
	v9 =	vld [tilespmem:s25+$0x300]  }
0xc7: {  	v10 =	vld [tilespmem:s21+$0x18380]  }
0xc8: {  	v3 =	vadd.f32 v4, v3;
	v4 =	vmul.f32 v6, v5;
	v5 =	vld [tilespmem:s25+$0x380]  }
0xc9: {  	v6 =	vld [tilespmem:s21+$0x18400]  }
0xca: {  	v3 =	vadd.f32 v4, v3;
	v4 =	vmul.f32 v8, v7;
	_ =	sdelay $0x1  }
0xcb: {  	v3 =	vadd.f32 v4, v3;
	v4 =	vmul.f32 v10, v9;
	_ =	sdelay $0x1  }
0xcc: {  	v3 =	vadd.f32 v4, v3;
	v4 =	vmul.f32 v6, v5  }
.Ltmp0:
0xcd: {  	(pc) =	sbr.rel @p0 .LBB2_4-.Ltmp0, $4  }
0xce: {  	s24 =	sadd.s32 $0x80, s24;
	s25 =	sadd.s32 s20, s18;
	v3 =	vadd.f32 v4, v3  }
0xcf: {  	s20 =	sand.u32 $0x1C00, s24;
	s25 =	sadd.s32 s19, s25  }
0xd0: {  	s19 =	sand.u32 $0x70, s23;
	s26 =	sadd.s32 s20, s22;
	[tilespmem:s25+$0x0] =	vst v3  }
0xd1: {  	s23 =	sadd.s32 $0x10, s23;
	s25 =	sadd.s32 s19, s26;
	v3 =	vld [tilespmem:s21+$0x18080]  }
0xd2: {  	v4 =	vld [tilespmem:s25+$0x0]  }
0xd3: {  	v5 =	vld [tilespmem:s25+$0x80]  }
0xd4: {  	v6 =	vld [tilespmem:s21+$0x18100]  }
0xd5: {  	v7 =	vld [tilespmem:s25+$0x100]  }
0xd6: {  	v8 =	vld [tilespmem:s21+$0x18180]  }
0xd7: {  	v9 =	vld [tilespmem:s25+$0x180]  }
0xd8: {  	v10 =	vld [tilespmem:s21+$0x18200]  }
0xd9: {  	v50 =	vld [tilespmem:s25+$0x200];
	v3 =	vmul.f32 v3, v4;
	v49 =	vmul.f32 v6, v5  }
0xda: {  	v51 =	vld [tilespmem:s21+$0x18280]  }
0xdb: {  	v53 =	vld [tilespmem:s25+$0x280];
	v52 =	vmul.f32 v8, v7;
	v3 =	vadd.f32 v49, v3  }
0xdc: {  	v54 =	vld [tilespmem:s21+$0x18300]  }
0xdd: {  	v56 =	vld [tilespmem:s25+$0x300];
	v55 =	vmul.f32 v10, v9;
	v3 =	vadd.f32 v52, v3  }
0xde: {  	v57 =	vld [tilespmem:s21+$0x18380]  }
0xdf: {  	v59 =	vld [tilespmem:s25+$0x380];
	v58 =	vmul.f32 v51, v50;
	v3 =	vadd.f32 v55, v3  }
0xe0: {  	v60 =	vld [tilespmem:s21+$0x18400]  }
0xe1: {  	v61 =	vmul.f32 v54, v53;
	v3 =	vadd.f32 v58, v3;
	_ =	sdelay $0x1  }
0xe2: {  	s17 =	sadd.s32 $0x1, s17;
	v62 =	vmul.f32 v57, v56;
	v3 =	vadd.f32 v61, v3  }
0xe3: {  	p0 =	sne.s32 s17, $0x10  }
.Ltmp1:
0xe4: {  	v63 =	vmul.f32 v60, v59;
	v3 =	vadd.f32 v62, v3;
	(pc) =	sbr.rel @p0 .LBB2_3-.Ltmp1, $4  }
0xe5: {  	_ = 	snop  }
0xe6: {  	s18 =	sadd.s32 s20, s18;
	v3 =	vadd.f32 v63, v3  }
0xe7: {  	s18 =	sadd.s32 s19, s18  }
0xe8: {  	[tilespmem:s18+$0x0] =	vst v3  }
0xe9: {  	s15 =	sshrl.u32 s15, $0x3  }
0xea: {  	s15 =	smul.u32 $0x300, s15;
	_ =	sdelay $0x1  }
.Ltmp2:
0xeb: {  	s16 =	simm.s32 $0x0;
	s15 =	sadd.s32 s6, s15;
	(pc) =	sbr.rel @p1 .LBB2_2-.Ltmp2, $4  }
0xec: {  	[hbm4b:s15+s16] =	stream.linear.scatter [tilespmem:s14], [sflag:$0x2], $0x3000, $0x38;
	[tilespmem:$0x1F080] =	vst v63  }
0xed: {  	_ =	swait.ge [sflag:s11], $0x3000  }
0xee: {  	[sflag:s11] =	ssyncset.done $0x0  }
0xef: {  	p0 =	por $0x0, $0x0;
	s15 =	simm.s32 $0x10;
	[sflag:s11] =	ssyncadd.s32 $0xFFFFD000  }
0xf0: {  	s16 =	rddreg [dreg:$0x5]  }
0xf1: {  	s15 =	rddreg [dreg:$0x4];
	s16 =	sadd.s32 $0x1, s16  }
0xf2: {  	p0 =	sne.s32 s16, s15  }
.Ltmp3:
0xf3: {  	_ = 	snop;
	(pc) =	sbr.rel @p0 .LBB2_1-.Ltmp3, $1  }
0xf4: {  	_ =	sdelay $0x3  }
0xf5: {  	_ =	sfence.sel $0x180000  }
0xf6: {  	[bflag:$0x0] =	sbarrier.arrive $0xFFFF  }
0xf7: {  	_ =	strace $0x9000004A  }
0xf8: {  	s0 =	stileid.u32;
	[bflag:$0x2] =	sbarrier.arrive $0xFFFF  }
0xf9: {  	p0 =	sne.s32 s0, $0x0;
	s0 =	rddreg [dreg:$0x3]  }
0xfa: {  	s0 =	sadd.s32 @!p0 $0x100000, s0  }
0xfb: {  	[sflag:s0] =	ssyncadd.tile.s32 @!p0 $0x1;
	_ =	shalt  }
.Lfunc_end2:
_tile_overlayer_lowered:
.L_overlay_start_2:
0xfc: {  	(tag) =	ssettag $0x2  }
0xfd: {  	s0 =	rddreg [dreg:$0x0];
	s2 =	stileid.u32  }
0xfe: {  	s1 =	rddreg [dreg:$0x1];
	p0 =	sne.s32 s2, $0x0  }
0xff: {  	s3 =	rddreg [dreg:$0x2];
	[bflag:$0x3] =	sbarrier.arrive $0xFFFF;
	s2 =	simm.s32 @!p0 $0x1C02  }
0x100: {  	[timem:s3], [sflag:s2] =	dma.local @!p0 [hbm:s0], s1  }
0x101: {  	s0 =	simm.s32 @!p0 $0x2  }
0x102: {  	_ =	swait.ge @!p0 [sflag:s0], s1  }
0x103: {  	s1 =	ssub.s32 @!p0 $0x0, s1;
	[sflag:s0] =	ssyncset.done @!p0 $0x0  }
0x104: {  	[sflag:s0] =	ssyncadd.s32 @!p0 s1  }
0x105: {  	[bflag:$0x3] =	sbarrier.arrive $0xFFFF  }
0x106: {  	_ =	shalt  }

</sc_bundles>
